<compile_context>
chip_gen: v7x
topology: tpu7x:2x2x1
jax: 0.10.2.dev20260603
libtpu: 0.0.44.dev20260713+nightly
codegen_flags: <defaults>
</compile_context>

<pallas_src>
import functools

import jax
import jax.numpy as jnp
from jax import lax
from jax.experimental import pallas as pl
from jax.experimental.pallas import tpu as pltpu
from jax.experimental.pallas import tpu_sc as plsc

NC = 2
NS = 16
NW = NC * NS

CH = 128
CS = 64
JUNK = 1024


def _sc_mesh():
    return plsc.VectorSubcoreMesh(core_axis_name="c", subcore_axis_name="s")


def _pad_edges(src, dst, N, E):
    ep = NW * CH * 8
    E_pad = ((E + ep - 1) // ep) * ep
    pad = E_pad - E
    src_p = jnp.concatenate([src, jnp.full((pad,), N, jnp.int32)])
    ar = jnp.arange(pad, dtype=jnp.int32)
    dst_deg = jnp.concatenate([dst, N + ar % JUNK])
    dst_scat = jnp.concatenate([dst, ar % 8192])
    return (src_p.reshape(E_pad // CH, CH), dst_deg.reshape(E_pad // CH, CH),
            dst_scat.reshape(E_pad // CH, CH), E_pad)


def _zero_acc(zeros_hbm, acc, sid, na):
    nzt, rz = na // 1000, 1000
    tail = na - (na // 1000) * 1000

    @pl.when(sid < nzt)
    def _():
        pltpu.sync_copy(zeros_hbm.at[pl.ds(sid * rz, rz)],
                        acc.at[pl.ds(sid * rz, rz)])

    if tail:
        @pl.when(sid == nzt)
        def _():
            pltpu.sync_copy(zeros_hbm.at[pl.ds(nzt * rz, tail)],
                            acc.at[pl.ds(nzt * rz, tail)])


def _dump_acc(acc, out_hbm, c, sid, n):
    ndt, rd = n // 1000, 1000

    @pl.when(sid < ndt)
    def _():
        pltpu.sync_copy(acc.at[pl.ds(sid * rd, rd)],
                        out_hbm.at[c, pl.ds(sid * rd, rd)])


def _make_deg_kernel(E_pad, N):
    per_tile = E_pad // NW
    nch = per_tile // CH
    na = N + JUNK

    @functools.partial(
        pl.kernel,
        out_type=jax.ShapeDtypeStruct((NC, N, CH), jnp.float32),
        mesh=_sc_mesh(),
        scratch_types=[
            pltpu.VMEM((nch, CH), jnp.int32),
            pltpu.VMEM((CH, CH), jnp.float32),
            pltpu.VMEM_SHARED((na, CH), jnp.float32),
            pltpu.SemaphoreType.DMA,
        ],
    )
    def deg_kernel(dst2_hbm, ones_hbm, zeros_hbm, out_hbm,
                   dst_v, ones_v, acc, sem):
        c = lax.axis_index("c")
        sid = lax.axis_index("s")
        wid = sid * NC + c
        pltpu.sync_copy(dst2_hbm.at[pl.ds(wid * nch, nch)], dst_v)
        pltpu.sync_copy(ones_hbm, ones_v)
        _zero_acc(zeros_hbm, acc, sid, na)
        plsc.subcore_barrier()

        def fire(j, carry):
            pltpu.async_copy(ones_v, acc.at[dst_v.at[j]], sem, add=True)
            return carry

        lax.fori_loop(0, nch, fire, 0)

        def drain(j, carry):
            pltpu.make_async_copy(ones_v, acc.at[dst_v.at[0]], sem).wait()
            return carry

        lax.fori_loop(0, nch, drain, 0)
        plsc.subcore_barrier()
        _dump_acc(acc, out_hbm, c, sid, N)

    return deg_kernel


CHUNK = 80


def _make_scatter_kernel(E, N, H):
    per_tile = E // NW
    nch = per_tile // CHUNK

    @functools.partial(
        pl.kernel,
        out_type=jax.ShapeDtypeStruct((NC, N, H), jnp.float32),
        mesh=_sc_mesh(),
        scratch_types=[
            pltpu.VMEM((CHUNK,), jnp.int32),
            pltpu.VMEM((CHUNK,), jnp.int32),
            pltpu.VMEM((CHUNK,), jnp.int32),
            pltpu.VMEM((CHUNK,), jnp.int32),
            pltpu.VMEM((CHUNK, H), jnp.float32),
            pltpu.VMEM_SHARED((N, H), jnp.float32),
            pltpu.SemaphoreType.DMA,
            pltpu.SemaphoreType.DMA,
            pltpu.SemaphoreType.DMA,
        ],
    )
    def scat_kernel(p_hbm, src_hbm, dst_hbm, zeros_hbm, out_hbm,
                    sv0, dv0, sv1, dv1, rows_v, acc, gsem, i0, i1):
        c = lax.axis_index("c")
        sid = lax.axis_index("s")
        wid = sid * NC + c
        srcs = (sv0, sv1)
        dsts = (dv0, dv1)
        isem = (i0, i1)
        _zero_acc(zeros_hbm, acc, sid, N)
        plsc.subcore_barrier()
        base = wid * per_tile

        def ifire(j, b):
            pltpu.async_copy(src_hbm.at[pl.ds(base + j * CHUNK, CHUNK)],
                             srcs[b], isem[b])
            pltpu.async_copy(dst_hbm.at[pl.ds(base + j * CHUNK, CHUNK)],
                             dsts[b], isem[b])

        def iwait(b):
            pltpu.make_async_copy(src_hbm.at[pl.ds(base, CHUNK)],
                                  srcs[b], isem[b]).wait()
            pltpu.make_async_copy(dst_hbm.at[pl.ds(base, CHUNK)],
                                  dsts[b], isem[b]).wait()

        ifire(0, 0)

        def body(t, carry):
            for b in range(2):
                j = 2 * t + b
                b2 = 1 - b
                ifire(j + 1, b2)
                iwait(b)
                pltpu.async_copy(p_hbm.at[srcs[b]], rows_v, gsem).wait()
                pltpu.sync_copy(rows_v, acc.at[dsts[b]], add=True)
            return carry

        lax.fori_loop(0, nch // 2, body, 0)
        iwait(0)
        pltpu.async_copy(p_hbm.at[srcs[0]], rows_v, gsem).wait()
        pltpu.sync_copy(rows_v, acc.at[dsts[0]], add=True)
        plsc.subcore_barrier()
        _dump_acc(acc, out_hbm, c, sid, N)

    return scat_kernel


def _tc_k1(x, W1, dega, degb, B):
    N, F = x.shape
    H = W1.shape[1]
    grid = N // B

    def body(x_ref, w_ref, da_ref, db_ref, p_ref, dinv_ref):
        deg = da_ref[...] + db_ref[...] + 1.0
        dinv = lax.rsqrt(deg)
        z = jnp.dot(x_ref[...], w_ref[...], preferred_element_type=jnp.float32)
        p_ref[...] = dinv * z
        dinv_ref[...] = dinv

    return pl.pallas_call(
        body,
        grid=(grid,),
        in_specs=[
            pl.BlockSpec((B, F), lambda i: (i, 0)),
            pl.BlockSpec((F, H), lambda i: (0, 0)),
            pl.BlockSpec((B, 1), lambda i: (i, 0)),
            pl.BlockSpec((B, 1), lambda i: (i, 0)),
        ],
        out_specs=[
            pl.BlockSpec((B, H), lambda i: (i, 0)),
            pl.BlockSpec((B, 1), lambda i: (i, 0)),
        ],
        out_shape=[
            jax.ShapeDtypeStruct((N, H), jnp.float32),
            jax.ShapeDtypeStruct((N, 1), jnp.float32),
        ],
    )(x, W1, dega, degb)


def _tc_k2(Sa, Sb, p1, dinv, b1, W2, B):
    N, H = p1.shape
    grid = N // B

    def body(sa_ref, sb_ref, p_ref, dinv_ref, b1_ref, w2_ref, p2_ref):
        agg = sa_ref[...] + sb_ref[...] + p_ref[...]
        h1 = jnp.maximum(dinv_ref[...] * agg + b1_ref[...], 0.0)
        z2 = jnp.dot(h1, w2_ref[...], preferred_element_type=jnp.float32)
        p2_ref[...] = dinv_ref[...] * z2

    return pl.pallas_call(
        body,
        grid=(grid,),
        in_specs=[
            pl.BlockSpec((B, H), lambda i: (i, 0)),
            pl.BlockSpec((B, H), lambda i: (i, 0)),
            pl.BlockSpec((B, H), lambda i: (i, 0)),
            pl.BlockSpec((B, 1), lambda i: (i, 0)),
            pl.BlockSpec((1, H), lambda i: (0, 0)),
            pl.BlockSpec((H, H), lambda i: (0, 0)),
        ],
        out_specs=pl.BlockSpec((B, H), lambda i: (i, 0)),
        out_shape=jax.ShapeDtypeStruct((N, H), jnp.float32),
    )(Sa, Sb, p1, dinv, b1, W2)


def _tc_k3(Sa, Sb, p2, dinv, b2, batch2, Wl, bl, G, B):
    N, H = p2.shape
    C = Wl.shape[1]
    grid = N // B

    def body(sa_ref, sb_ref, p_ref, dinv_ref, b2_ref, bat_ref, wl_ref, bl_ref,
             out_ref, pooled):
        i = pl.program_id(0)
        agg = sa_ref[...] + sb_ref[...] + p_ref[...]
        h2 = jnp.maximum(dinv_ref[...] * agg + b2_ref[...], 0.0)
        gids = lax.broadcasted_iota(jnp.int32, (B, G), 1)
        onehot = (bat_ref[...] == gids).astype(jnp.float32)
        blk = lax.dot_general(onehot, h2, (((0,), (0,)), ((), ())),
                              preferred_element_type=jnp.float32)

        @pl.when(i == 0)
        def _():
            pooled[...] = blk

        @pl.when(i > 0)
        def _():
            pooled[...] = pooled[...] + blk

        @pl.when(i == grid - 1)
        def _():
            out_ref[...] = jnp.dot(pooled[...], wl_ref[...],
                                   preferred_element_type=jnp.float32) + bl_ref[...]

    return pl.pallas_call(
        body,
        grid=(grid,),
        in_specs=[
            pl.BlockSpec((B, H), lambda i: (i, 0)),
            pl.BlockSpec((B, H), lambda i: (i, 0)),
            pl.BlockSpec((B, H), lambda i: (i, 0)),
            pl.BlockSpec((B, 1), lambda i: (i, 0)),
            pl.BlockSpec((1, H), lambda i: (0, 0)),
            pl.BlockSpec((B, 1), lambda i: (i, 0)),
            pl.BlockSpec((H, C), lambda i: (0, 0)),
            pl.BlockSpec((1, C), lambda i: (0, 0)),
        ],
        out_specs=pl.BlockSpec((G, C), lambda i: (0, 0)),
        out_shape=jax.ShapeDtypeStruct((G, C), jnp.float32),
        scratch_shapes=[pltpu.VMEM((G, H), jnp.float32)],
    )(Sa, Sb, p2, dinv, b2, batch2, Wl, bl)


@jax.jit
def kernel(x, edge_index, batch, W1, b1, W2, b2, Wl, bl):
    N, F = x.shape
    H = W1.shape[1]
    E = edge_index.shape[1]
    G = 64
    B = 1000

    src, dst = edge_index[0], edge_index[1]
    _, dst2_deg, _, E_pad = _pad_edges(src, dst, N, E)
    ones_c = jnp.ones((CH, CH), jnp.float32)
    zerosA = jnp.zeros((N + JUNK, CH), jnp.float32)

    deg2 = _make_deg_kernel(E_pad, N)(dst2_deg, ones_c, zerosA)
    dega, degb = deg2[0, :, 0:1], deg2[1, :, 0:1]

    p1, dinv = _tc_k1(x, W1, dega, degb, B)

    scat = _make_scatter_kernel(E, N, H)
    S1 = scat(p1, src, dst, zerosA)
    p2 = _tc_k2(S1[0], S1[1], p1, dinv, b1.reshape(1, H), W2, B)

    S2 = scat(p2, src, dst, zerosA)
    return _tc_k3(S2[0], S2[1], p2, dinv, b2.reshape(1, H),
                  batch.reshape(N, 1), Wl, bl.reshape(1, Wl.shape[1]), G, B)

# --- scband reference (transcript-rebuilt; emitter-appended) ---
"""Pipeline reference for scband-efficient-gnn-36378372997643 (READ-ONLY COPY).

The authoritative reference and input builder live on the scoring server;
editing this copy changes nothing except your own understanding.
"""

import jax, jax.numpy as jnp
import numpy as np

N = 10000
E = 320000
F_IN = 128
H = 128
C = 2
G = 64


def setup_inputs(seed: int = 0) -> dict:
    key = jax.random.key(seed)
    ks = jax.random.split(key, 9)
    x = jax.random.normal(ks[0], (N, F_IN), dtype=jnp.float32)
    edge_index = jax.random.randint(ks[1], (2, E), 0, N, dtype=jnp.int32)
    batch = jnp.sort(jax.random.randint(ks[2], (N,), 0, G, dtype=jnp.int32))
    W1 = jax.random.normal(ks[3], (F_IN, H), dtype=jnp.float32) * (1.0 / np.sqrt(F_IN))
    b1 = jnp.zeros((H,), dtype=jnp.float32)
    W2 = jax.random.normal(ks[4], (H, H), dtype=jnp.float32) * (1.0 / np.sqrt(H))
    b2 = jnp.zeros((H,), dtype=jnp.float32)
    Wl = jax.random.normal(ks[5], (H, C), dtype=jnp.float32) * (1.0 / np.sqrt(H))
    bl = jnp.zeros((C,), dtype=jnp.float32)
    return {"x": x, "edge_index": edge_index, "batch": batch,
            "W1": W1, "b1": b1, "W2": W2, "b2": b2, "Wl": Wl, "bl": bl}


def _gcn_conv(x, edge_index, W, b):
    # PyG GCNConv: D^{-1/2} (A + I) D^{-1/2} X W + b
    h = x @ W
    loops = jnp.arange(N, dtype=edge_index.dtype)
    src = jnp.concatenate([edge_index[0], loops])
    dst = jnp.concatenate([edge_index[1], loops])
    ones = jnp.ones_like(src, dtype=h.dtype)
    deg = jax.ops.segment_sum(ones, dst, num_segments=N)
    deg_inv_sqrt = jnp.where(deg > 0, 1.0 / jnp.sqrt(deg), 0.0)
    norm = deg_inv_sqrt[src] * deg_inv_sqrt[dst]
    msg = h[src] * norm[:, None]
    out = jax.ops.segment_sum(msg, dst, num_segments=N)
    return out + b


def reference(x, edge_index, batch, W1, b1, W2, b2, Wl, bl):
    h = jax.nn.relu(_gcn_conv(x, edge_index, W1, b1))
    h = jax.nn.relu(_gcn_conv(h, edge_index, W2, b2))
    pooled = jax.ops.segment_sum(h, batch, num_segments=G)  # global_add_pool
    return pooled @ Wl + bl

if __name__ == "__main__":
    import jax
    _d = setup_inputs()
    print(jax.jit(kernel)(*tuple(_d.values())))

</pallas_src>

<mosaic_0001>
#map = affine_map<(d0, d1) -> (0, 0)>
#map1 = affine_map<(d0, d1) -> (0, 0, 0)>
module attributes {stable_mosaic.version = 14 : i64} {
  func.func @deg_kernel(%arg0: i32, %arg1: i32, %arg2: memref<2560x128xi32, #tpu.memory_space<hbm>>, %arg3: memref<128x128xf32, #tpu.memory_space<hbm>>, %arg4: memref<11024x128xf32, #tpu.memory_space<hbm>>, %arg5: memref<2x10000x128xf32, #tpu.memory_space<hbm>>, %arg6: memref<80x128xi32, #tpu.memory_space<vmem>>, %arg7: memref<128x128xf32, #tpu.memory_space<vmem>>, %arg8: memref<11024x128xf32, #tpu.memory_space<vmem_shared>>, %arg9: memref<!tpu.dma_semaphore, #tpu.memory_space<semaphore_mem>>) attributes {dimension_semantics = [#tpu.dimension_semantics<core_parallel>, #tpu.dimension_semantics<subcore_parallel>], iteration_bounds = array<i64: 2, 16>, scalar_prefetch = 0 : i64, scratch_operands = 4 : i64, tpu.core_type = #tpu.core_type<sc_vector_subcore>, window_params = [{transform_indices = #map}, {transform_indices = #map}, {transform_indices = #map}, {transform_indices = #map1}]} {
    %mul3A = arith.constant 2 : i32
    %mul3A_0 = arith.muli %arg1, %mul3A : i32
    %add3A = arith.addi %mul3A_0, %arg0 : i32
    %mul3A_1 = arith.constant 80 : i32
    %mul3A_2 = arith.muli %add3A, %mul3A_1 : i32
    "tpu.region"() ({
      %run_scoped3A = tpu.sem_alloc : memref<!tpu.dma_semaphore, #tpu.memory_space<semaphore_mem>>
      %dma_start3A = arith.constant 0 : i32
      %dma_start3A_26 = tpu.memref_slice %arg2[%mul3A_2, %dma_start3A] : memref<2560x128xi32, #tpu.memory_space<hbm>> -> memref<80x128xi32, #tpu.memory_space<hbm>>
      %dma_start3A_27 = arith.constant 0 : i32
      %dma_start3A_28 = tpu.memref_slice %arg2[%mul3A_2, %dma_start3A_27] : memref<2560x128xi32, #tpu.memory_space<hbm>> -> memref<80x128xi32, #tpu.memory_space<hbm>>
      tpu.enqueue_dma source(%dma_start3A_28 : memref<80x128xi32, #tpu.memory_space<hbm>>) target(%arg6 : memref<80x128xi32, #tpu.memory_space<vmem>>) target_semaphore(%run_scoped3A : memref<!tpu.dma_semaphore, #tpu.memory_space<semaphore_mem>>)
      %dma_wait3A = arith.constant 0 : i32
      %dma_wait3A_29 = tpu.memref_slice %arg2[%mul3A_2, %dma_wait3A] : memref<2560x128xi32, #tpu.memory_space<hbm>> -> memref<80x128xi32, #tpu.memory_space<hbm>>
      %dma_wait3A_30 = arith.constant 0 : i32
      %dma_wait3A_31 = tpu.memref_slice %arg2[%mul3A_2, %dma_wait3A_30] : memref<2560x128xi32, #tpu.memory_space<hbm>> -> memref<80x128xi32, #tpu.memory_space<hbm>>
      tpu.wait_dma2 semaphore(%run_scoped3A : memref<!tpu.dma_semaphore, #tpu.memory_space<semaphore_mem>>) src(%dma_wait3A_31 : memref<80x128xi32, #tpu.memory_space<hbm>>) dst(%arg6 : memref<80x128xi32, #tpu.memory_space<vmem>>)
      tpu.yield
    }) : () -> ()
    "tpu.region"() ({
      %run_scoped3A = tpu.sem_alloc : memref<!tpu.dma_semaphore, #tpu.memory_space<semaphore_mem>>
      tpu.enqueue_dma source(%arg3 : memref<128x128xf32, #tpu.memory_space<hbm>>) target(%arg7 : memref<128x128xf32, #tpu.memory_space<vmem>>) target_semaphore(%run_scoped3A : memref<!tpu.dma_semaphore, #tpu.memory_space<semaphore_mem>>)
      tpu.wait_dma2 semaphore(%run_scoped3A : memref<!tpu.dma_semaphore, #tpu.memory_space<semaphore_mem>>) src(%arg3 : memref<128x128xf32, #tpu.memory_space<hbm>>) dst(%arg7 : memref<128x128xf32, #tpu.memory_space<vmem>>)
      tpu.yield
    }) : () -> ()
    %lt3A = arith.constant 11 : i32
    %lt3A_3 = arith.cmpi slt, %arg1, %lt3A : i32
    %convert_element_type3A = arith.extui %lt3A_3 : i1 to i32
    %cond3A = arith.constant 0 : i32
    %cond3A_4 = arith.cmpi ne, %convert_element_type3A, %cond3A : i32
    scf.if %cond3A_4 {
      %mul3A_26 = arith.constant 1000 : i32
      %mul3A_27 = arith.muli %arg1, %mul3A_26 : i32
      %mul3A_28 = arith.constant 1000 : i32
      %mul3A_29 = arith.muli %arg1, %mul3A_28 : i32
      "tpu.region"() ({
        %run_scoped3A = tpu.sem_alloc : memref<!tpu.dma_semaphore, #tpu.memory_space<semaphore_mem>>
        %dma_start3A = arith.constant 0 : i32
        %dma_start3A_30 = tpu.memref_slice %arg8[%mul3A_29, %dma_start3A] : memref<11024x128xf32, #tpu.memory_space<vmem_shared>> -> memref<1000x128xf32, #tpu.memory_space<vmem_shared>>
        %dma_start3A_31 = arith.constant 0 : i32
        %dma_start3A_32 = tpu.memref_slice %arg4[%mul3A_27, %dma_start3A_31] : memref<11024x128xf32, #tpu.memory_space<hbm>> -> memref<1000x128xf32, #tpu.memory_space<hbm>>
        tpu.enqueue_dma source(%dma_start3A_32 : memref<1000x128xf32, #tpu.memory_space<hbm>>) target(%dma_start3A_30 : memref<1000x128xf32, #tpu.memory_space<vmem_shared>>) target_semaphore(%run_scoped3A : memref<!tpu.dma_semaphore, #tpu.memory_space<semaphore_mem>>)
        %dma_wait3A = arith.constant 0 : i32
        %dma_wait3A_33 = tpu.memref_slice %arg8[%mul3A_29, %dma_wait3A] : memref<11024x128xf32, #tpu.memory_space<vmem_shared>> -> memref<1000x128xf32, #tpu.memory_space<vmem_shared>>
        %dma_wait3A_34 = arith.constant 0 : i32
        %dma_wait3A_35 = tpu.memref_slice %arg4[%mul3A_27, %dma_wait3A_34] : memref<11024x128xf32, #tpu.memory_space<hbm>> -> memref<1000x128xf32, #tpu.memory_space<hbm>>
        tpu.wait_dma2 semaphore(%run_scoped3A : memref<!tpu.dma_semaphore, #tpu.memory_space<semaphore_mem>>) src(%dma_wait3A_35 : memref<1000x128xf32, #tpu.memory_space<hbm>>) dst(%dma_wait3A_33 : memref<1000x128xf32, #tpu.memory_space<vmem_shared>>)
        tpu.yield
      }) : () -> ()
    } else {
    }
    %eq3A = arith.constant 11 : i32
    %eq3A_5 = arith.cmpi eq, %arg1, %eq3A : i32
    %convert_element_type3A_6 = arith.extui %eq3A_5 : i1 to i32
    %cond3A_7 = arith.constant 0 : i32
    %cond3A_8 = arith.cmpi ne, %convert_element_type3A_6, %cond3A_7 : i32
    scf.if %cond3A_8 {
      "tpu.region"() ({
        %run_scoped3A = tpu.sem_alloc : memref<!tpu.dma_semaphore, #tpu.memory_space<semaphore_mem>>
        %dma_start3A = arith.constant 11000 : i32
        %dma_start3A_26 = arith.constant 0 : i32
        %dma_start3A_27 = tpu.memref_slice %arg8[%dma_start3A, %dma_start3A_26] : memref<11024x128xf32, #tpu.memory_space<vmem_shared>> -> memref<24x128xf32, #tpu.memory_space<vmem_shared>>
        %dma_start3A_28 = arith.constant 11000 : i32
        %dma_start3A_29 = arith.constant 0 : i32
        %dma_start3A_30 = tpu.memref_slice %arg4[%dma_start3A_28, %dma_start3A_29] : memref<11024x128xf32, #tpu.memory_space<hbm>> -> memref<24x128xf32, #tpu.memory_space<hbm>>
        tpu.enqueue_dma source(%dma_start3A_30 : memref<24x128xf32, #tpu.memory_space<hbm>>) target(%dma_start3A_27 : memref<24x128xf32, #tpu.memory_space<vmem_shared>>) target_semaphore(%run_scoped3A : memref<!tpu.dma_semaphore, #tpu.memory_space<semaphore_mem>>)
        %dma_wait3A = arith.constant 11000 : i32
        %dma_wait3A_31 = arith.constant 0 : i32
        %dma_wait3A_32 = tpu.memref_slice %arg8[%dma_wait3A, %dma_wait3A_31] : memref<11024x128xf32, #tpu.memory_space<vmem_shared>> -> memref<24x128xf32, #tpu.memory_space<vmem_shared>>
        %dma_wait3A_33 = arith.constant 11000 : i32
        %dma_wait3A_34 = arith.constant 0 : i32
        %dma_wait3A_35 = tpu.memref_slice %arg4[%dma_wait3A_33, %dma_wait3A_34] : memref<11024x128xf32, #tpu.memory_space<hbm>> -> memref<24x128xf32, #tpu.memory_space<hbm>>
        tpu.wait_dma2 semaphore(%run_scoped3A : memref<!tpu.dma_semaphore, #tpu.memory_space<semaphore_mem>>) src(%dma_wait3A_35 : memref<24x128xf32, #tpu.memory_space<hbm>>) dst(%dma_wait3A_32 : memref<24x128xf32, #tpu.memory_space<vmem_shared>>)
        tpu.yield
      }) : () -> ()
    } else {
    }
    %barrier3A = arith.constant 0 : index
    tpu.barrier barrier_id(%barrier3A)
    %scan3A = arith.constant 0 : i32
    %scan3A_9 = arith.constant 0 : i32
    %scan3A_10 = arith.constant 80 : i32
    %scan3A_11 = arith.addi %scan3A_9, %scan3A_10 : i32
    %scan3A_12 = arith.constant 1 : i32
    scf.for %scan3A_26 = %scan3A_9 to %scan3A_11 step %scan3A_12  : i32 {
      %dma_start3A = arith.constant 0 : i32
      %dma_start3A_27 = tpu.memref_slice %arg6[%scan3A_26, %dma_start3A] : memref<80x128xi32, #tpu.memory_space<vmem>> -> memref<1x128xi32, #tpu.memory_space<vmem>>
      %dma_start3A_28 = tpu.memref_squeeze %dma_start3A_27 : memref<1x128xi32, #tpu.memory_space<vmem>> -> memref<128xi32, #tpu.memory_space<vmem>>
      %dma_start3A_29 = arith.constant 0 : i32
      %dma_start3A_30 = arith.constant 0 : i32
      %dma_start3A_31 = tpu.memref_slice %arg8[%dma_start3A_29, %dma_start3A_30] : memref<11024x128xf32, #tpu.memory_space<vmem_shared>> -> memref<11024x128xf32, #tpu.memory_space<vmem_shared>>
      tpu.enqueue_indirect_dma source(%arg7 : memref<128x128xf32, #tpu.memory_space<vmem>>) target(%dma_start3A_31 : memref<11024x128xf32, #tpu.memory_space<vmem_shared>>) offsets(%dma_start3A_28 : memref<128xi32, #tpu.memory_space<vmem>>) semaphore(%arg9 : memref<!tpu.dma_semaphore, #tpu.memory_space<semaphore_mem>>) {add = true}
    }
    %scan3A_13 = arith.constant 80 : i32
    %scan3A_14 = arith.constant 0 : i32
    %scan3A_15 = arith.constant 0 : i32
    %scan3A_16 = arith.constant 80 : i32
    %scan3A_17 = arith.addi %scan3A_15, %scan3A_16 : i32
    %scan3A_18 = arith.constant 1 : i32
    scf.for %scan3A_26 = %scan3A_15 to %scan3A_17 step %scan3A_18  : i32 {
      %dma_wait3A = arith.constant 0 : i32
      %dma_wait3A_27 = arith.constant 0 : i32
      %dma_wait3A_28 = tpu.memref_slice %arg6[%dma_wait3A, %dma_wait3A_27] : memref<80x128xi32, #tpu.memory_space<vmem>> -> memref<1x128xi32, #tpu.memory_space<vmem>>
      %dma_wait3A_29 = tpu.memref_squeeze %dma_wait3A_28 : memref<1x128xi32, #tpu.memory_space<vmem>> -> memref<128xi32, #tpu.memory_space<vmem>>
      %dma_wait3A_30 = arith.constant 0 : i32
      %dma_wait3A_31 = arith.constant 0 : i32
      %dma_wait3A_32 = tpu.memref_slice %arg8[%dma_wait3A_30, %dma_wait3A_31] : memref<11024x128xf32, #tpu.memory_space<vmem_shared>> -> memref<11024x128xf32, #tpu.memory_space<vmem_shared>>
      tpu.wait_indirect_dma semaphore(%arg9 : memref<!tpu.dma_semaphore, #tpu.memory_space<semaphore_mem>>) src(%arg7 : memref<128x128xf32, #tpu.memory_space<vmem>>) dst(%dma_wait3A_32 : memref<11024x128xf32, #tpu.memory_space<vmem_shared>>)
    }
    %scan3A_19 = arith.constant 80 : i32
    %barrier3A_20 = arith.constant 0 : index
    tpu.barrier barrier_id(%barrier3A_20)
    %lt3A_21 = arith.constant 10 : i32
    %lt3A_22 = arith.cmpi slt, %arg1, %lt3A_21 : i32
    %convert_element_type3A_23 = arith.extui %lt3A_22 : i1 to i32
    %cond3A_24 = arith.constant 0 : i32
    %cond3A_25 = arith.cmpi ne, %convert_element_type3A_23, %cond3A_24 : i32
    scf.if %cond3A_25 {
      %mul3A_26 = arith.constant 1000 : i32
      %mul3A_27 = arith.muli %arg1, %mul3A_26 : i32
      %mul3A_28 = arith.constant 1000 : i32
      %mul3A_29 = arith.muli %arg1, %mul3A_28 : i32
      "tpu.region"() ({
        %run_scoped3A = tpu.sem_alloc : memref<!tpu.dma_semaphore, #tpu.memory_space<semaphore_mem>>
        %dma_start3A = arith.constant 0 : i32
        %dma_start3A_30 = tpu.memref_slice %arg5[%arg0, %mul3A_29, %dma_start3A] : memref<2x10000x128xf32, #tpu.memory_space<hbm>> -> memref<1x1000x128xf32, #tpu.memory_space<hbm>>
        %dma_start3A_31 = tpu.memref_squeeze %dma_start3A_30 : memref<1x1000x128xf32, #tpu.memory_space<hbm>> -> memref<1000x128xf32, #tpu.memory_space<hbm>>
        %dma_start3A_32 = arith.constant 0 : i32
        %dma_start3A_33 = tpu.memref_slice %arg8[%mul3A_27, %dma_start3A_32] : memref<11024x128xf32, #tpu.memory_space<vmem_shared>> -> memref<1000x128xf32, #tpu.memory_space<vmem_shared>>
        tpu.enqueue_dma source(%dma_start3A_33 : memref<1000x128xf32, #tpu.memory_space<vmem_shared>>) target(%dma_start3A_31 : memref<1000x128xf32, #tpu.memory_space<hbm>>) target_semaphore(%run_scoped3A : memref<!tpu.dma_semaphore, #tpu.memory_space<semaphore_mem>>)
        %dma_wait3A = arith.constant 0 : i32
        %dma_wait3A_34 = tpu.memref_slice %arg5[%arg0, %mul3A_29, %dma_wait3A] : memref<2x10000x128xf32, #tpu.memory_space<hbm>> -> memref<1x1000x128xf32, #tpu.memory_space<hbm>>
        %dma_wait3A_35 = tpu.memref_squeeze %dma_wait3A_34 : memref<1x1000x128xf32, #tpu.memory_space<hbm>> -> memref<1000x128xf32, #tpu.memory_space<hbm>>
        %dma_wait3A_36 = arith.constant 0 : i32
        %dma_wait3A_37 = tpu.memref_slice %arg8[%mul3A_27, %dma_wait3A_36] : memref<11024x128xf32, #tpu.memory_space<vmem_shared>> -> memref<1000x128xf32, #tpu.memory_space<vmem_shared>>
        tpu.wait_dma2 semaphore(%run_scoped3A : memref<!tpu.dma_semaphore, #tpu.memory_space<semaphore_mem>>) src(%dma_wait3A_37 : memref<1000x128xf32, #tpu.memory_space<vmem_shared>>) dst(%dma_wait3A_35 : memref<1000x128xf32, #tpu.memory_space<hbm>>)
        tpu.yield
      }) : () -> ()
    } else {
    }
    return
  }
}

#map = affine_map<(d0, d1) -> (0, 0)>
#map1 = affine_map<(d0, d1) -> (0)>
#map2 = affine_map<(d0, d1) -> (0, 0, 0)>
module attributes {stable_mosaic.version = 14 : i64} {
  func.func @scat_kernel(%arg0: i32, %arg1: i32, %arg2: memref<10000x128xf32, #tpu.memory_space<hbm>>, %arg3: memref<320000xi32, #tpu.memory_space<hbm>>, %arg4: memref<320000xi32, #tpu.memory_space<hbm>>, %arg5: memref<11024x128xf32, #tpu.memory_space<hbm>>, %arg6: memref<2x10000x128xf32, #tpu.memory_space<hbm>>, %arg7: memref<80xi32, #tpu.memory_space<vmem>>, %arg8: memref<80xi32, #tpu.memory_space<vmem>>, %arg9: memref<80xi32, #tpu.memory_space<vmem>>, %arg10: memref<80xi32, #tpu.memory_space<vmem>>, %arg11: memref<80x128xf32, #tpu.memory_space<vmem>>, %arg12: memref<10000x128xf32, #tpu.memory_space<vmem_shared>>, %arg13: memref<!tpu.dma_semaphore, #tpu.memory_space<semaphore_mem>>, %arg14: memref<!tpu.dma_semaphore, #tpu.memory_space<semaphore_mem>>, %arg15: memref<!tpu.dma_semaphore, #tpu.memory_space<semaphore_mem>>) attributes {dimension_semantics = [#tpu.dimension_semantics<core_parallel>, #tpu.dimension_semantics<subcore_parallel>], iteration_bounds = array<i64: 2, 16>, scalar_prefetch = 0 : i64, scratch_operands = 9 : i64, tpu.core_type = #tpu.core_type<sc_vector_subcore>, window_params = [{transform_indices = #map}, {transform_indices = #map1}, {transform_indices = #map1}, {transform_indices = #map}, {transform_indices = #map2}]} {
    %mul3A = arith.constant 2 : i32
    %mul3A_0 = arith.muli %arg1, %mul3A : i32
    %add3A = arith.addi %mul3A_0, %arg0 : i32
    %lt3A = arith.constant 10 : i32
    %lt3A_1 = arith.cmpi slt, %arg1, %lt3A : i32
    %convert_element_type3A = arith.extui %lt3A_1 : i1 to i32
    %cond3A = arith.constant 0 : i32
    %cond3A_2 = arith.cmpi ne, %convert_element_type3A, %cond3A : i32
    scf.if %cond3A_2 {
      %mul3A_32 = arith.constant 1000 : i32
      %mul3A_33 = arith.muli %arg1, %mul3A_32 : i32
      %mul3A_34 = arith.constant 1000 : i32
      %mul3A_35 = arith.muli %arg1, %mul3A_34 : i32
      "tpu.region"() ({
        %run_scoped3A = tpu.sem_alloc : memref<!tpu.dma_semaphore, #tpu.memory_space<semaphore_mem>>
        %dma_start3A_36 = arith.constant 0 : i32
        %dma_start3A_37 = tpu.memref_slice %arg12[%mul3A_35, %dma_start3A_36] : memref<10000x128xf32, #tpu.memory_space<vmem_shared>> -> memref<1000x128xf32, #tpu.memory_space<vmem_shared>>
        %dma_start3A_38 = arith.constant 0 : i32
        %dma_start3A_39 = tpu.memref_slice %arg5[%mul3A_33, %dma_start3A_38] : memref<11024x128xf32, #tpu.memory_space<hbm>> -> memref<1000x128xf32, #tpu.memory_space<hbm>>
        tpu.enqueue_dma source(%dma_start3A_39 : memref<1000x128xf32, #tpu.memory_space<hbm>>) target(%dma_start3A_37 : memref<1000x128xf32, #tpu.memory_space<vmem_shared>>) target_semaphore(%run_scoped3A : memref<!tpu.dma_semaphore, #tpu.memory_space<semaphore_mem>>)
        %dma_wait3A_40 = arith.constant 0 : i32
        %dma_wait3A_41 = tpu.memref_slice %arg12[%mul3A_35, %dma_wait3A_40] : memref<10000x128xf32, #tpu.memory_space<vmem_shared>> -> memref<1000x128xf32, #tpu.memory_space<vmem_shared>>
        %dma_wait3A_42 = arith.constant 0 : i32
        %dma_wait3A_43 = tpu.memref_slice %arg5[%mul3A_33, %dma_wait3A_42] : memref<11024x128xf32, #tpu.memory_space<hbm>> -> memref<1000x128xf32, #tpu.memory_space<hbm>>
        tpu.wait_dma2 semaphore(%run_scoped3A : memref<!tpu.dma_semaphore, #tpu.memory_space<semaphore_mem>>) src(%dma_wait3A_43 : memref<1000x128xf32, #tpu.memory_space<hbm>>) dst(%dma_wait3A_41 : memref<1000x128xf32, #tpu.memory_space<vmem_shared>>)
        tpu.yield
      }) : () -> ()
    } else {
    }
    %barrier3A = arith.constant 0 : index
    tpu.barrier barrier_id(%barrier3A)
    %mul3A_3 = arith.constant 10000 : i32
    %mul3A_4 = arith.muli %add3A, %mul3A_3 : i32
    %add3A_5 = arith.constant 0 : i32
    %add3A_6 = arith.addi %mul3A_4, %add3A_5 : i32
    %dma_start3A = tpu.memref_slice %arg3[%add3A_6] : memref<320000xi32, #tpu.memory_space<hbm>> -> memref<80xi32, #tpu.memory_space<hbm>>
    %dma_start3A_7 = tpu.memref_slice %arg3[%add3A_6] : memref<320000xi32, #tpu.memory_space<hbm>> -> memref<80xi32, #tpu.memory_space<hbm>>
    tpu.enqueue_dma source(%dma_start3A_7 : memref<80xi32, #tpu.memory_space<hbm>>) target(%arg7 : memref<80xi32, #tpu.memory_space<vmem>>) target_semaphore(%arg14 : memref<!tpu.dma_semaphore, #tpu.memory_space<semaphore_mem>>)
    %add3A_8 = arith.constant 0 : i32
    %add3A_9 = arith.addi %mul3A_4, %add3A_8 : i32
    %dma_start3A_10 = tpu.memref_slice %arg4[%add3A_9] : memref<320000xi32, #tpu.memory_space<hbm>> -> memref<80xi32, #tpu.memory_space<hbm>>
    %dma_start3A_11 = tpu.memref_slice %arg4[%add3A_9] : memref<320000xi32, #tpu.memory_space<hbm>> -> memref<80xi32, #tpu.memory_space<hbm>>
    tpu.enqueue_dma source(%dma_start3A_11 : memref<80xi32, #tpu.memory_space<hbm>>) target(%arg8 : memref<80xi32, #tpu.memory_space<vmem>>) target_semaphore(%arg14 : memref<!tpu.dma_semaphore, #tpu.memory_space<semaphore_mem>>)
    %scan3A = arith.constant 0 : i32
    %scan3A_12 = arith.constant 0 : i32
    %scan3A_13 = arith.constant 62 : i32
    %scan3A_14 = arith.addi %scan3A_12, %scan3A_13 : i32
    %scan3A_15 = arith.constant 1 : i32
    scf.for %scan3A_32 = %scan3A_12 to %scan3A_14 step %scan3A_15  : i32 {
      %mul3A_33 = arith.constant 2 : i32
      %mul3A_34 = arith.muli %mul3A_33, %scan3A_32 : i32
      %add3A_35 = arith.constant 0 : i32
      %add3A_36 = arith.addi %mul3A_34, %add3A_35 : i32
      %add3A_37 = arith.constant 1 : i32
      %add3A_38 = arith.addi %add3A_36, %add3A_37 : i32
      %mul3A_39 = arith.constant 80 : i32
      %mul3A_40 = arith.muli %add3A_38, %mul3A_39 : i32
      %add3A_41 = arith.addi %mul3A_4, %mul3A_40 : i32
      %dma_start3A_42 = tpu.memref_slice %arg3[%add3A_41] : memref<320000xi32, #tpu.memory_space<hbm>> -> memref<80xi32, #tpu.memory_space<hbm>>
      %dma_start3A_43 = tpu.memref_slice %arg3[%add3A_41] : memref<320000xi32, #tpu.memory_space<hbm>> -> memref<80xi32, #tpu.memory_space<hbm>>
      tpu.enqueue_dma source(%dma_start3A_43 : memref<80xi32, #tpu.memory_space<hbm>>) target(%arg9 : memref<80xi32, #tpu.memory_space<vmem>>) target_semaphore(%arg15 : memref<!tpu.dma_semaphore, #tpu.memory_space<semaphore_mem>>)
      %mul3A_44 = arith.constant 80 : i32
      %mul3A_45 = arith.muli %add3A_38, %mul3A_44 : i32
      %add3A_46 = arith.addi %mul3A_4, %mul3A_45 : i32
      %dma_start3A_47 = tpu.memref_slice %arg4[%add3A_46] : memref<320000xi32, #tpu.memory_space<hbm>> -> memref<80xi32, #tpu.memory_space<hbm>>
      %dma_start3A_48 = tpu.memref_slice %arg4[%add3A_46] : memref<320000xi32, #tpu.memory_space<hbm>> -> memref<80xi32, #tpu.memory_space<hbm>>
      tpu.enqueue_dma source(%dma_start3A_48 : memref<80xi32, #tpu.memory_space<hbm>>) target(%arg10 : memref<80xi32, #tpu.memory_space<vmem>>) target_semaphore(%arg15 : memref<!tpu.dma_semaphore, #tpu.memory_space<semaphore_mem>>)
      %dma_wait3A_49 = tpu.memref_slice %arg3[%mul3A_4] : memref<320000xi32, #tpu.memory_space<hbm>> -> memref<80xi32, #tpu.memory_space<hbm>>
      %dma_wait3A_50 = tpu.memref_slice %arg3[%mul3A_4] : memref<320000xi32, #tpu.memory_space<hbm>> -> memref<80xi32, #tpu.memory_space<hbm>>
      tpu.wait_dma2 semaphore(%arg14 : memref<!tpu.dma_semaphore, #tpu.memory_space<semaphore_mem>>) src(%dma_wait3A_50 : memref<80xi32, #tpu.memory_space<hbm>>) dst(%arg7 : memref<80xi32, #tpu.memory_space<vmem>>)
      %dma_wait3A_51 = tpu.memref_slice %arg4[%mul3A_4] : memref<320000xi32, #tpu.memory_space<hbm>> -> memref<80xi32, #tpu.memory_space<hbm>>
      %dma_wait3A_52 = tpu.memref_slice %arg4[%mul3A_4] : memref<320000xi32, #tpu.memory_space<hbm>> -> memref<80xi32, #tpu.memory_space<hbm>>
      tpu.wait_dma2 semaphore(%arg14 : memref<!tpu.dma_semaphore, #tpu.memory_space<semaphore_mem>>) src(%dma_wait3A_52 : memref<80xi32, #tpu.memory_space<hbm>>) dst(%arg8 : memref<80xi32, #tpu.memory_space<vmem>>)
      %dma_start3A_53 = arith.constant 0 : i32
      %dma_start3A_54 = arith.constant 0 : i32
      %dma_start3A_55 = tpu.memref_slice %arg2[%dma_start3A_53, %dma_start3A_54] : memref<10000x128xf32, #tpu.memory_space<hbm>> -> memref<10000x128xf32, #tpu.memory_space<hbm>>
      tpu.enqueue_indirect_dma source(%dma_start3A_55 : memref<10000x128xf32, #tpu.memory_space<hbm>>) target(%arg11 : memref<80x128xf32, #tpu.memory_space<vmem>>) offsets(%arg7 : memref<80xi32, #tpu.memory_space<vmem>>) semaphore(%arg13 : memref<!tpu.dma_semaphore, #tpu.memory_space<semaphore_mem>>)
      %dma_wait3A_56 = arith.constant 0 : i32
      %dma_wait3A_57 = arith.constant 0 : i32
      %dma_wait3A_58 = tpu.memref_slice %arg2[%dma_wait3A_56, %dma_wait3A_57] : memref<10000x128xf32, #tpu.memory_space<hbm>> -> memref<10000x128xf32, #tpu.memory_space<hbm>>
      tpu.wait_indirect_dma semaphore(%arg13 : memref<!tpu.dma_semaphore, #tpu.memory_space<semaphore_mem>>) src(%dma_wait3A_58 : memref<10000x128xf32, #tpu.memory_space<hbm>>) dst(%arg11 : memref<80x128xf32, #tpu.memory_space<vmem>>)
      "tpu.region"() ({
        %run_scoped3A = tpu.sem_alloc : memref<!tpu.dma_semaphore, #tpu.memory_space<semaphore_mem>>
        %dma_start3A_85 = arith.constant 0 : i32
        %dma_start3A_86 = arith.constant 0 : i32
        %dma_start3A_87 = tpu.memref_slice %arg12[%dma_start3A_85, %dma_start3A_86] : memref<10000x128xf32, #tpu.memory_space<vmem_shared>> -> memref<10000x128xf32, #tpu.memory_space<vmem_shared>>
        tpu.enqueue_indirect_dma source(%arg11 : memref<80x128xf32, #tpu.memory_space<vmem>>) target(%dma_start3A_87 : memref<10000x128xf32, #tpu.memory_space<vmem_shared>>) offsets(%arg8 : memref<80xi32, #tpu.memory_space<vmem>>) semaphore(%run_scoped3A : memref<!tpu.dma_semaphore, #tpu.memory_space<semaphore_mem>>) {add = true}
        %dma_wait3A_88 = arith.constant 0 : i32
        %dma_wait3A_89 = arith.constant 0 : i32
        %dma_wait3A_90 = tpu.memref_slice %arg12[%dma_wait3A_88, %dma_wait3A_89] : memref<10000x128xf32, #tpu.memory_space<vmem_shared>> -> memref<10000x128xf32, #tpu.memory_space<vmem_shared>>
        tpu.wait_indirect_dma semaphore(%run_scoped3A : memref<!tpu.dma_semaphore, #tpu.memory_space<semaphore_mem>>) src(%arg11 : memref<80x128xf32, #tpu.memory_space<vmem>>) dst(%dma_wait3A_90 : memref<10000x128xf32, #tpu.memory_space<vmem_shared>>)
        tpu.yield
      }) : () -> ()
      %mul3A_59 = arith.constant 2 : i32
      %mul3A_60 = arith.muli %mul3A_59, %scan3A_32 : i32
      %add3A_61 = arith.constant 1 : i32
      %add3A_62 = arith.addi %mul3A_60, %add3A_61 : i32
      %add3A_63 = arith.constant 1 : i32
      %add3A_64 = arith.addi %add3A_62, %add3A_63 : i32
      %mul3A_65 = arith.constant 80 : i32
      %mul3A_66 = arith.muli %add3A_64, %mul3A_65 : i32
      %add3A_67 = arith.addi %mul3A_4, %mul3A_66 : i32
      %dma_start3A_68 = tpu.memref_slice %arg3[%add3A_67] : memref<320000xi32, #tpu.memory_space<hbm>> -> memref<80xi32, #tpu.memory_space<hbm>>
      %dma_start3A_69 = tpu.memref_slice %arg3[%add3A_67] : memref<320000xi32, #tpu.memory_space<hbm>> -> memref<80xi32, #tpu.memory_space<hbm>>
      tpu.enqueue_dma source(%dma_start3A_69 : memref<80xi32, #tpu.memory_space<hbm>>) target(%arg7 : memref<80xi32, #tpu.memory_space<vmem>>) target_semaphore(%arg14 : memref<!tpu.dma_semaphore, #tpu.memory_space<semaphore_mem>>)
      %mul3A_70 = arith.constant 80 : i32
      %mul3A_71 = arith.muli %add3A_64, %mul3A_70 : i32
      %add3A_72 = arith.addi %mul3A_4, %mul3A_71 : i32
      %dma_start3A_73 = tpu.memref_slice %arg4[%add3A_72] : memref<320000xi32, #tpu.memory_space<hbm>> -> memref<80xi32, #tpu.memory_space<hbm>>
      %dma_start3A_74 = tpu.memref_slice %arg4[%add3A_72] : memref<320000xi32, #tpu.memory_space<hbm>> -> memref<80xi32, #tpu.memory_space<hbm>>
      tpu.enqueue_dma source(%dma_start3A_74 : memref<80xi32, #tpu.memory_space<hbm>>) target(%arg8 : memref<80xi32, #tpu.memory_space<vmem>>) target_semaphore(%arg14 : memref<!tpu.dma_semaphore, #tpu.memory_space<semaphore_mem>>)
      %dma_wait3A_75 = tpu.memref_slice %arg3[%mul3A_4] : memref<320000xi32, #tpu.memory_space<hbm>> -> memref<80xi32, #tpu.memory_space<hbm>>
      %dma_wait3A_76 = tpu.memref_slice %arg3[%mul3A_4] : memref<320000xi32, #tpu.memory_space<hbm>> -> memref<80xi32, #tpu.memory_space<hbm>>
      tpu.wait_dma2 semaphore(%arg15 : memref<!tpu.dma_semaphore, #tpu.memory_space<semaphore_mem>>) src(%dma_wait3A_76 : memref<80xi32, #tpu.memory_space<hbm>>) dst(%arg9 : memref<80xi32, #tpu.memory_space<vmem>>)
      %dma_wait3A_77 = tpu.memref_slice %arg4[%mul3A_4] : memref<320000xi32, #tpu.memory_space<hbm>> -> memref<80xi32, #tpu.memory_space<hbm>>
      %dma_wait3A_78 = tpu.memref_slice %arg4[%mul3A_4] : memref<320000xi32, #tpu.memory_space<hbm>> -> memref<80xi32, #tpu.memory_space<hbm>>
      tpu.wait_dma2 semaphore(%arg15 : memref<!tpu.dma_semaphore, #tpu.memory_space<semaphore_mem>>) src(%dma_wait3A_78 : memref<80xi32, #tpu.memory_space<hbm>>) dst(%arg10 : memref<80xi32, #tpu.memory_space<vmem>>)
      %dma_start3A_79 = arith.constant 0 : i32
      %dma_start3A_80 = arith.constant 0 : i32
      %dma_start3A_81 = tpu.memref_slice %arg2[%dma_start3A_79, %dma_start3A_80] : memref<10000x128xf32, #tpu.memory_space<hbm>> -> memref<10000x128xf32, #tpu.memory_space<hbm>>
      tpu.enqueue_indirect_dma source(%dma_start3A_81 : memref<10000x128xf32, #tpu.memory_space<hbm>>) target(%arg11 : memref<80x128xf32, #tpu.memory_space<vmem>>) offsets(%arg9 : memref<80xi32, #tpu.memory_space<vmem>>) semaphore(%arg13 : memref<!tpu.dma_semaphore, #tpu.memory_space<semaphore_mem>>)
      %dma_wait3A_82 = arith.constant 0 : i32
      %dma_wait3A_83 = arith.constant 0 : i32
      %dma_wait3A_84 = tpu.memref_slice %arg2[%dma_wait3A_82, %dma_wait3A_83] : memref<10000x128xf32, #tpu.memory_space<hbm>> -> memref<10000x128xf32, #tpu.memory_space<hbm>>
      tpu.wait_indirect_dma semaphore(%arg13 : memref<!tpu.dma_semaphore, #tpu.memory_space<semaphore_mem>>) src(%dma_wait3A_84 : memref<10000x128xf32, #tpu.memory_space<hbm>>) dst(%arg11 : memref<80x128xf32, #tpu.memory_space<vmem>>)
      "tpu.region"() ({
        %run_scoped3A = tpu.sem_alloc : memref<!tpu.dma_semaphore, #tpu.memory_space<semaphore_mem>>
        %dma_start3A_85 = arith.constant 0 : i32
        %dma_start3A_86 = arith.constant 0 : i32
        %dma_start3A_87 = tpu.memref_slice %arg12[%dma_start3A_85, %dma_start3A_86] : memref<10000x128xf32, #tpu.memory_space<vmem_shared>> -> memref<10000x128xf32, #tpu.memory_space<vmem_shared>>
        tpu.enqueue_indirect_dma source(%arg11 : memref<80x128xf32, #tpu.memory_space<vmem>>) target(%dma_start3A_87 : memref<10000x128xf32, #tpu.memory_space<vmem_shared>>) offsets(%arg10 : memref<80xi32, #tpu.memory_space<vmem>>) semaphore(%run_scoped3A : memref<!tpu.dma_semaphore, #tpu.memory_space<semaphore_mem>>) {add = true}
        %dma_wait3A_88 = arith.constant 0 : i32
        %dma_wait3A_89 = arith.constant 0 : i32
        %dma_wait3A_90 = tpu.memref_slice %arg12[%dma_wait3A_88, %dma_wait3A_89] : memref<10000x128xf32, #tpu.memory_space<vmem_shared>> -> memref<10000x128xf32, #tpu.memory_space<vmem_shared>>
        tpu.wait_indirect_dma semaphore(%run_scoped3A : memref<!tpu.dma_semaphore, #tpu.memory_space<semaphore_mem>>) src(%arg11 : memref<80x128xf32, #tpu.memory_space<vmem>>) dst(%dma_wait3A_90 : memref<10000x128xf32, #tpu.memory_space<vmem_shared>>)
        tpu.yield
      }) : () -> ()
    }
    %scan3A_16 = arith.constant 62 : i32
    %dma_wait3A = tpu.memref_slice %arg3[%mul3A_4] : memref<320000xi32, #tpu.memory_space<hbm>> -> memref<80xi32, #tpu.memory_space<hbm>>
    %dma_wait3A_17 = tpu.memref_slice %arg3[%mul3A_4] : memref<320000xi32, #tpu.memory_space<hbm>> -> memref<80xi32, #tpu.memory_space<hbm>>
    tpu.wait_dma2 semaphore(%arg14 : memref<!tpu.dma_semaphore, #tpu.memory_space<semaphore_mem>>) src(%dma_wait3A_17 : memref<80xi32, #tpu.memory_space<hbm>>) dst(%arg7 : memref<80xi32, #tpu.memory_space<vmem>>)
    %dma_wait3A_18 = tpu.memref_slice %arg4[%mul3A_4] : memref<320000xi32, #tpu.memory_space<hbm>> -> memref<80xi32, #tpu.memory_space<hbm>>
    %dma_wait3A_19 = tpu.memref_slice %arg4[%mul3A_4] : memref<320000xi32, #tpu.memory_space<hbm>> -> memref<80xi32, #tpu.memory_space<hbm>>
    tpu.wait_dma2 semaphore(%arg14 : memref<!tpu.dma_semaphore, #tpu.memory_space<semaphore_mem>>) src(%dma_wait3A_19 : memref<80xi32, #tpu.memory_space<hbm>>) dst(%arg8 : memref<80xi32, #tpu.memory_space<vmem>>)
    %dma_start3A_20 = arith.constant 0 : i32
    %dma_start3A_21 = arith.constant 0 : i32
    %dma_start3A_22 = tpu.memref_slice %arg2[%dma_start3A_20, %dma_start3A_21] : memref<10000x128xf32, #tpu.memory_space<hbm>> -> memref<10000x128xf32, #tpu.memory_space<hbm>>
    tpu.enqueue_indirect_dma source(%dma_start3A_22 : memref<10000x128xf32, #tpu.memory_space<hbm>>) target(%arg11 : memref<80x128xf32, #tpu.memory_space<vmem>>) offsets(%arg7 : memref<80xi32, #tpu.memory_space<vmem>>) semaphore(%arg13 : memref<!tpu.dma_semaphore, #tpu.memory_space<semaphore_mem>>)
    %dma_wait3A_23 = arith.constant 0 : i32
    %dma_wait3A_24 = arith.constant 0 : i32
    %dma_wait3A_25 = tpu.memref_slice %arg2[%dma_wait3A_23, %dma_wait3A_24] : memref<10000x128xf32, #tpu.memory_space<hbm>> -> memref<10000x128xf32, #tpu.memory_space<hbm>>
    tpu.wait_indirect_dma semaphore(%arg13 : memref<!tpu.dma_semaphore, #tpu.memory_space<semaphore_mem>>) src(%dma_wait3A_25 : memref<10000x128xf32, #tpu.memory_space<hbm>>) dst(%arg11 : memref<80x128xf32, #tpu.memory_space<vmem>>)
    "tpu.region"() ({
      %run_scoped3A = tpu.sem_alloc : memref<!tpu.dma_semaphore, #tpu.memory_space<semaphore_mem>>
      %dma_start3A_32 = arith.constant 0 : i32
      %dma_start3A_33 = arith.constant 0 : i32
      %dma_start3A_34 = tpu.memref_slice %arg12[%dma_start3A_32, %dma_start3A_33] : memref<10000x128xf32, #tpu.memory_space<vmem_shared>> -> memref<10000x128xf32, #tpu.memory_space<vmem_shared>>
      tpu.enqueue_indirect_dma source(%arg11 : memref<80x128xf32, #tpu.memory_space<vmem>>) target(%dma_start3A_34 : memref<10000x128xf32, #tpu.memory_space<vmem_shared>>) offsets(%arg8 : memref<80xi32, #tpu.memory_space<vmem>>) semaphore(%run_scoped3A : memref<!tpu.dma_semaphore, #tpu.memory_space<semaphore_mem>>) {add = true}
      %dma_wait3A_35 = arith.constant 0 : i32
      %dma_wait3A_36 = arith.constant 0 : i32
      %dma_wait3A_37 = tpu.memref_slice %arg12[%dma_wait3A_35, %dma_wait3A_36] : memref<10000x128xf32, #tpu.memory_space<vmem_shared>> -> memref<10000x128xf32, #tpu.memory_space<vmem_shared>>
      tpu.wait_indirect_dma semaphore(%run_scoped3A : memref<!tpu.dma_semaphore, #tpu.memory_space<semaphore_mem>>) src(%arg11 : memref<80x128xf32, #tpu.memory_space<vmem>>) dst(%dma_wait3A_37 : memref<10000x128xf32, #tpu.memory_space<vmem_shared>>)
      tpu.yield
    }) : () -> ()
    %barrier3A_26 = arith.constant 0 : index
    tpu.barrier barrier_id(%barrier3A_26)
    %lt3A_27 = arith.constant 10 : i32
    %lt3A_28 = arith.cmpi slt, %arg1, %lt3A_27 : i32
    %convert_element_type3A_29 = arith.extui %lt3A_28 : i1 to i32
    %cond3A_30 = arith.constant 0 : i32
    %cond3A_31 = arith.cmpi ne, %convert_element_type3A_29, %cond3A_30 : i32
    scf.if %cond3A_31 {
      %mul3A_32 = arith.constant 1000 : i32
      %mul3A_33 = arith.muli %arg1, %mul3A_32 : i32
      %mul3A_34 = arith.constant 1000 : i32
      %mul3A_35 = arith.muli %arg1, %mul3A_34 : i32
      "tpu.region"() ({
        %run_scoped3A = tpu.sem_alloc : memref<!tpu.dma_semaphore, #tpu.memory_space<semaphore_mem>>
        %dma_start3A_36 = arith.constant 0 : i32
        %dma_start3A_37 = tpu.memref_slice %arg6[%arg0, %mul3A_35, %dma_start3A_36] : memref<2x10000x128xf32, #tpu.memory_space<hbm>> -> memref<1x1000x128xf32, #tpu.memory_space<hbm>>
        %dma_start3A_38 = tpu.memref_squeeze %dma_start3A_37 : memref<1x1000x128xf32, #tpu.memory_space<hbm>> -> memref<1000x128xf32, #tpu.memory_space<hbm>>
        %dma_start3A_39 = arith.constant 0 : i32
        %dma_start3A_40 = tpu.memref_slice %arg12[%mul3A_33, %dma_start3A_39] : memref<10000x128xf32, #tpu.memory_space<vmem_shared>> -> memref<1000x128xf32, #tpu.memory_space<vmem_shared>>
        tpu.enqueue_dma source(%dma_start3A_40 : memref<1000x128xf32, #tpu.memory_space<vmem_shared>>) target(%dma_start3A_38 : memref<1000x128xf32, #tpu.memory_space<hbm>>) target_semaphore(%run_scoped3A : memref<!tpu.dma_semaphore, #tpu.memory_space<semaphore_mem>>)
        %dma_wait3A_41 = arith.constant 0 : i32
        %dma_wait3A_42 = tpu.memref_slice %arg6[%arg0, %mul3A_35, %dma_wait3A_41] : memref<2x10000x128xf32, #tpu.memory_space<hbm>> -> memref<1x1000x128xf32, #tpu.memory_space<hbm>>
        %dma_wait3A_43 = tpu.memref_squeeze %dma_wait3A_42 : memref<1x1000x128xf32, #tpu.memory_space<hbm>> -> memref<1000x128xf32, #tpu.memory_space<hbm>>
        %dma_wait3A_44 = arith.constant 0 : i32
        %dma_wait3A_45 = tpu.memref_slice %arg12[%mul3A_33, %dma_wait3A_44] : memref<10000x128xf32, #tpu.memory_space<vmem_shared>> -> memref<1000x128xf32, #tpu.memory_space<vmem_shared>>
        tpu.wait_dma2 semaphore(%run_scoped3A : memref<!tpu.dma_semaphore, #tpu.memory_space<semaphore_mem>>) src(%dma_wait3A_45 : memref<1000x128xf32, #tpu.memory_space<vmem_shared>>) dst(%dma_wait3A_43 : memref<1000x128xf32, #tpu.memory_space<hbm>>)
        tpu.yield
      }) : () -> ()
    } else {
    }
    return
  }
}

#map = affine_map<(d0, d1) -> (0, 0)>
#map1 = affine_map<(d0, d1) -> (0)>
#map2 = affine_map<(d0, d1) -> (0, 0, 0)>
module attributes {stable_mosaic.version = 14 : i64} {
  func.func @scat_kernel(%arg0: i32, %arg1: i32, %arg2: memref<10000x128xf32, #tpu.memory_space<hbm>>, %arg3: memref<320000xi32, #tpu.memory_space<hbm>>, %arg4: memref<320000xi32, #tpu.memory_space<hbm>>, %arg5: memref<11024x128xf32, #tpu.memory_space<hbm>>, %arg6: memref<2x10000x128xf32, #tpu.memory_space<hbm>>, %arg7: memref<80xi32, #tpu.memory_space<vmem>>, %arg8: memref<80xi32, #tpu.memory_space<vmem>>, %arg9: memref<80xi32, #tpu.memory_space<vmem>>, %arg10: memref<80xi32, #tpu.memory_space<vmem>>, %arg11: memref<80x128xf32, #tpu.memory_space<vmem>>, %arg12: memref<10000x128xf32, #tpu.memory_space<vmem_shared>>, %arg13: memref<!tpu.dma_semaphore, #tpu.memory_space<semaphore_mem>>, %arg14: memref<!tpu.dma_semaphore, #tpu.memory_space<semaphore_mem>>, %arg15: memref<!tpu.dma_semaphore, #tpu.memory_space<semaphore_mem>>) attributes {dimension_semantics = [#tpu.dimension_semantics<core_parallel>, #tpu.dimension_semantics<subcore_parallel>], iteration_bounds = array<i64: 2, 16>, scalar_prefetch = 0 : i64, scratch_operands = 9 : i64, tpu.core_type = #tpu.core_type<sc_vector_subcore>, window_params = [{transform_indices = #map}, {transform_indices = #map1}, {transform_indices = #map1}, {transform_indices = #map}, {transform_indices = #map2}]} {
    %mul3A = arith.constant 2 : i32
    %mul3A_0 = arith.muli %arg1, %mul3A : i32
    %add3A = arith.addi %mul3A_0, %arg0 : i32
    %lt3A = arith.constant 10 : i32
    %lt3A_1 = arith.cmpi slt, %arg1, %lt3A : i32
    %convert_element_type3A = arith.extui %lt3A_1 : i1 to i32
    %cond3A = arith.constant 0 : i32
    %cond3A_2 = arith.cmpi ne, %convert_element_type3A, %cond3A : i32
    scf.if %cond3A_2 {
      %mul3A_32 = arith.constant 1000 : i32
      %mul3A_33 = arith.muli %arg1, %mul3A_32 : i32
      %mul3A_34 = arith.constant 1000 : i32
      %mul3A_35 = arith.muli %arg1, %mul3A_34 : i32
      "tpu.region"() ({
        %run_scoped3A = tpu.sem_alloc : memref<!tpu.dma_semaphore, #tpu.memory_space<semaphore_mem>>
        %dma_start3A_36 = arith.constant 0 : i32
        %dma_start3A_37 = tpu.memref_slice %arg12[%mul3A_35, %dma_start3A_36] : memref<10000x128xf32, #tpu.memory_space<vmem_shared>> -> memref<1000x128xf32, #tpu.memory_space<vmem_shared>>
        %dma_start3A_38 = arith.constant 0 : i32
        %dma_start3A_39 = tpu.memref_slice %arg5[%mul3A_33, %dma_start3A_38] : memref<11024x128xf32, #tpu.memory_space<hbm>> -> memref<1000x128xf32, #tpu.memory_space<hbm>>
        tpu.enqueue_dma source(%dma_start3A_39 : memref<1000x128xf32, #tpu.memory_space<hbm>>) target(%dma_start3A_37 : memref<1000x128xf32, #tpu.memory_space<vmem_shared>>) target_semaphore(%run_scoped3A : memref<!tpu.dma_semaphore, #tpu.memory_space<semaphore_mem>>)
        %dma_wait3A_40 = arith.constant 0 : i32
        %dma_wait3A_41 = tpu.memref_slice %arg12[%mul3A_35, %dma_wait3A_40] : memref<10000x128xf32, #tpu.memory_space<vmem_shared>> -> memref<1000x128xf32, #tpu.memory_space<vmem_shared>>
        %dma_wait3A_42 = arith.constant 0 : i32
        %dma_wait3A_43 = tpu.memref_slice %arg5[%mul3A_33, %dma_wait3A_42] : memref<11024x128xf32, #tpu.memory_space<hbm>> -> memref<1000x128xf32, #tpu.memory_space<hbm>>
        tpu.wait_dma2 semaphore(%run_scoped3A : memref<!tpu.dma_semaphore, #tpu.memory_space<semaphore_mem>>) src(%dma_wait3A_43 : memref<1000x128xf32, #tpu.memory_space<hbm>>) dst(%dma_wait3A_41 : memref<1000x128xf32, #tpu.memory_space<vmem_shared>>)
        tpu.yield
      }) : () -> ()
    } else {
    }
    %barrier3A = arith.constant 0 : index
    tpu.barrier barrier_id(%barrier3A)
    %mul3A_3 = arith.constant 10000 : i32
    %mul3A_4 = arith.muli %add3A, %mul3A_3 : i32
    %add3A_5 = arith.constant 0 : i32
    %add3A_6 = arith.addi %mul3A_4, %add3A_5 : i32
    %dma_start3A = tpu.memref_slice %arg3[%add3A_6] : memref<320000xi32, #tpu.memory_space<hbm>> -> memref<80xi32, #tpu.memory_space<hbm>>
    %dma_start3A_7 = tpu.memref_slice %arg3[%add3A_6] : memref<320000xi32, #tpu.memory_space<hbm>> -> memref<80xi32, #tpu.memory_space<hbm>>
    tpu.enqueue_dma source(%dma_start3A_7 : memref<80xi32, #tpu.memory_space<hbm>>) target(%arg7 : memref<80xi32, #tpu.memory_space<vmem>>) target_semaphore(%arg14 : memref<!tpu.dma_semaphore, #tpu.memory_space<semaphore_mem>>)
    %add3A_8 = arith.constant 0 : i32
    %add3A_9 = arith.addi %mul3A_4, %add3A_8 : i32
    %dma_start3A_10 = tpu.memref_slice %arg4[%add3A_9] : memref<320000xi32, #tpu.memory_space<hbm>> -> memref<80xi32, #tpu.memory_space<hbm>>
    %dma_start3A_11 = tpu.memref_slice %arg4[%add3A_9] : memref<320000xi32, #tpu.memory_space<hbm>> -> memref<80xi32, #tpu.memory_space<hbm>>
    tpu.enqueue_dma source(%dma_start3A_11 : memref<80xi32, #tpu.memory_space<hbm>>) target(%arg8 : memref<80xi32, #tpu.memory_space<vmem>>) target_semaphore(%arg14 : memref<!tpu.dma_semaphore, #tpu.memory_space<semaphore_mem>>)
    %scan3A = arith.constant 0 : i32
    %scan3A_12 = arith.constant 0 : i32
    %scan3A_13 = arith.constant 62 : i32
    %scan3A_14 = arith.addi %scan3A_12, %scan3A_13 : i32
    %scan3A_15 = arith.constant 1 : i32
    scf.for %scan3A_32 = %scan3A_12 to %scan3A_14 step %scan3A_15  : i32 {
      %mul3A_33 = arith.constant 2 : i32
      %mul3A_34 = arith.muli %mul3A_33, %scan3A_32 : i32
      %add3A_35 = arith.constant 0 : i32
      %add3A_36 = arith.addi %mul3A_34, %add3A_35 : i32
      %add3A_37 = arith.constant 1 : i32
      %add3A_38 = arith.addi %add3A_36, %add3A_37 : i32
      %mul3A_39 = arith.constant 80 : i32
      %mul3A_40 = arith.muli %add3A_38, %mul3A_39 : i32
      %add3A_41 = arith.addi %mul3A_4, %mul3A_40 : i32
      %dma_start3A_42 = tpu.memref_slice %arg3[%add3A_41] : memref<320000xi32, #tpu.memory_space<hbm>> -> memref<80xi32, #tpu.memory_space<hbm>>
      %dma_start3A_43 = tpu.memref_slice %arg3[%add3A_41] : memref<320000xi32, #tpu.memory_space<hbm>> -> memref<80xi32, #tpu.memory_space<hbm>>
      tpu.enqueue_dma source(%dma_start3A_43 : memref<80xi32, #tpu.memory_space<hbm>>) target(%arg9 : memref<80xi32, #tpu.memory_space<vmem>>) target_semaphore(%arg15 : memref<!tpu.dma_semaphore, #tpu.memory_space<semaphore_mem>>)
      %mul3A_44 = arith.constant 80 : i32
      %mul3A_45 = arith.muli %add3A_38, %mul3A_44 : i32
      %add3A_46 = arith.addi %mul3A_4, %mul3A_45 : i32
      %dma_start3A_47 = tpu.memref_slice %arg4[%add3A_46] : memref<320000xi32, #tpu.memory_space<hbm>> -> memref<80xi32, #tpu.memory_space<hbm>>
      %dma_start3A_48 = tpu.memref_slice %arg4[%add3A_46] : memref<320000xi32, #tpu.memory_space<hbm>> -> memref<80xi32, #tpu.memory_space<hbm>>
      tpu.enqueue_dma source(%dma_start3A_48 : memref<80xi32, #tpu.memory_space<hbm>>) target(%arg10 : memref<80xi32, #tpu.memory_space<vmem>>) target_semaphore(%arg15 : memref<!tpu.dma_semaphore, #tpu.memory_space<semaphore_mem>>)
      %dma_wait3A_49 = tpu.memref_slice %arg3[%mul3A_4] : memref<320000xi32, #tpu.memory_space<hbm>> -> memref<80xi32, #tpu.memory_space<hbm>>
      %dma_wait3A_50 = tpu.memref_slice %arg3[%mul3A_4] : memref<320000xi32, #tpu.memory_space<hbm>> -> memref<80xi32, #tpu.memory_space<hbm>>
      tpu.wait_dma2 semaphore(%arg14 : memref<!tpu.dma_semaphore, #tpu.memory_space<semaphore_mem>>) src(%dma_wait3A_50 : memref<80xi32, #tpu.memory_space<hbm>>) dst(%arg7 : memref<80xi32, #tpu.memory_space<vmem>>)
      %dma_wait3A_51 = tpu.memref_slice %arg4[%mul3A_4] : memref<320000xi32, #tpu.memory_space<hbm>> -> memref<80xi32, #tpu.memory_space<hbm>>
      %dma_wait3A_52 = tpu.memref_slice %arg4[%mul3A_4] : memref<320000xi32, #tpu.memory_space<hbm>> -> memref<80xi32, #tpu.memory_space<hbm>>
      tpu.wait_dma2 semaphore(%arg14 : memref<!tpu.dma_semaphore, #tpu.memory_space<semaphore_mem>>) src(%dma_wait3A_52 : memref<80xi32, #tpu.memory_space<hbm>>) dst(%arg8 : memref<80xi32, #tpu.memory_space<vmem>>)
      %dma_start3A_53 = arith.constant 0 : i32
      %dma_start3A_54 = arith.constant 0 : i32
      %dma_start3A_55 = tpu.memref_slice %arg2[%dma_start3A_53, %dma_start3A_54] : memref<10000x128xf32, #tpu.memory_space<hbm>> -> memref<10000x128xf32, #tpu.memory_space<hbm>>
      tpu.enqueue_indirect_dma source(%dma_start3A_55 : memref<10000x128xf32, #tpu.memory_space<hbm>>) target(%arg11 : memref<80x128xf32, #tpu.memory_space<vmem>>) offsets(%arg7 : memref<80xi32, #tpu.memory_space<vmem>>) semaphore(%arg13 : memref<!tpu.dma_semaphore, #tpu.memory_space<semaphore_mem>>)
      %dma_wait3A_56 = arith.constant 0 : i32
      %dma_wait3A_57 = arith.constant 0 : i32
      %dma_wait3A_58 = tpu.memref_slice %arg2[%dma_wait3A_56, %dma_wait3A_57] : memref<10000x128xf32, #tpu.memory_space<hbm>> -> memref<10000x128xf32, #tpu.memory_space<hbm>>
      tpu.wait_indirect_dma semaphore(%arg13 : memref<!tpu.dma_semaphore, #tpu.memory_space<semaphore_mem>>) src(%dma_wait3A_58 : memref<10000x128xf32, #tpu.memory_space<hbm>>) dst(%arg11 : memref<80x128xf32, #tpu.memory_space<vmem>>)
      "tpu.region"() ({
        %run_scoped3A = tpu.sem_alloc : memref<!tpu.dma_semaphore, #tpu.memory_space<semaphore_mem>>
        %dma_start3A_85 = arith.constant 0 : i32
        %dma_start3A_86 = arith.constant 0 : i32
        %dma_start3A_87 = tpu.memref_slice %arg12[%dma_start3A_85, %dma_start3A_86] : memref<10000x128xf32, #tpu.memory_space<vmem_shared>> -> memref<10000x128xf32, #tpu.memory_space<vmem_shared>>
        tpu.enqueue_indirect_dma source(%arg11 : memref<80x128xf32, #tpu.memory_space<vmem>>) target(%dma_start3A_87 : memref<10000x128xf32, #tpu.memory_space<vmem_shared>>) offsets(%arg8 : memref<80xi32, #tpu.memory_space<vmem>>) semaphore(%run_scoped3A : memref<!tpu.dma_semaphore, #tpu.memory_space<semaphore_mem>>) {add = true}
        %dma_wait3A_88 = arith.constant 0 : i32
        %dma_wait3A_89 = arith.constant 0 : i32
        %dma_wait3A_90 = tpu.memref_slice %arg12[%dma_wait3A_88, %dma_wait3A_89] : memref<10000x128xf32, #tpu.memory_space<vmem_shared>> -> memref<10000x128xf32, #tpu.memory_space<vmem_shared>>
        tpu.wait_indirect_dma semaphore(%run_scoped3A : memref<!tpu.dma_semaphore, #tpu.memory_space<semaphore_mem>>) src(%arg11 : memref<80x128xf32, #tpu.memory_space<vmem>>) dst(%dma_wait3A_90 : memref<10000x128xf32, #tpu.memory_space<vmem_shared>>)
        tpu.yield
      }) : () -> ()
      %mul3A_59 = arith.constant 2 : i32
      %mul3A_60 = arith.muli %mul3A_59, %scan3A_32 : i32
      %add3A_61 = arith.constant 1 : i32
      %add3A_62 = arith.addi %mul3A_60, %add3A_61 : i32
      %add3A_63 = arith.constant 1 : i32
      %add3A_64 = arith.addi %add3A_62, %add3A_63 : i32
      %mul3A_65 = arith.constant 80 : i32
      %mul3A_66 = arith.muli %add3A_64, %mul3A_65 : i32
      %add3A_67 = arith.addi %mul3A_4, %mul3A_66 : i32
      %dma_start3A_68 = tpu.memref_slice %arg3[%add3A_67] : memref<320000xi32, #tpu.memory_space<hbm>> -> memref<80xi32, #tpu.memory_space<hbm>>
      %dma_start3A_69 = tpu.memref_slice %arg3[%add3A_67] : memref<320000xi32, #tpu.memory_space<hbm>> -> memref<80xi32, #tpu.memory_space<hbm>>
      tpu.enqueue_dma source(%dma_start3A_69 : memref<80xi32, #tpu.memory_space<hbm>>) target(%arg7 : memref<80xi32, #tpu.memory_space<vmem>>) target_semaphore(%arg14 : memref<!tpu.dma_semaphore, #tpu.memory_space<semaphore_mem>>)
      %mul3A_70 = arith.constant 80 : i32
      %mul3A_71 = arith.muli %add3A_64, %mul3A_70 : i32
      %add3A_72 = arith.addi %mul3A_4, %mul3A_71 : i32
      %dma_start3A_73 = tpu.memref_slice %arg4[%add3A_72] : memref<320000xi32, #tpu.memory_space<hbm>> -> memref<80xi32, #tpu.memory_space<hbm>>
      %dma_start3A_74 = tpu.memref_slice %arg4[%add3A_72] : memref<320000xi32, #tpu.memory_space<hbm>> -> memref<80xi32, #tpu.memory_space<hbm>>
      tpu.enqueue_dma source(%dma_start3A_74 : memref<80xi32, #tpu.memory_space<hbm>>) target(%arg8 : memref<80xi32, #tpu.memory_space<vmem>>) target_semaphore(%arg14 : memref<!tpu.dma_semaphore, #tpu.memory_space<semaphore_mem>>)
      %dma_wait3A_75 = tpu.memref_slice %arg3[%mul3A_4] : memref<320000xi32, #tpu.memory_space<hbm>> -> memref<80xi32, #tpu.memory_space<hbm>>
      %dma_wait3A_76 = tpu.memref_slice %arg3[%mul3A_4] : memref<320000xi32, #tpu.memory_space<hbm>> -> memref<80xi32, #tpu.memory_space<hbm>>
      tpu.wait_dma2 semaphore(%arg15 : memref<!tpu.dma_semaphore, #tpu.memory_space<semaphore_mem>>) src(%dma_wait3A_76 : memref<80xi32, #tpu.memory_space<hbm>>) dst(%arg9 : memref<80xi32, #tpu.memory_space<vmem>>)
      %dma_wait3A_77 = tpu.memref_slice %arg4[%mul3A_4] : memref<320000xi32, #tpu.memory_space<hbm>> -> memref<80xi32, #tpu.memory_space<hbm>>
      %dma_wait3A_78 = tpu.memref_slice %arg4[%mul3A_4] : memref<320000xi32, #tpu.memory_space<hbm>> -> memref<80xi32, #tpu.memory_space<hbm>>
      tpu.wait_dma2 semaphore(%arg15 : memref<!tpu.dma_semaphore, #tpu.memory_space<semaphore_mem>>) src(%dma_wait3A_78 : memref<80xi32, #tpu.memory_space<hbm>>) dst(%arg10 : memref<80xi32, #tpu.memory_space<vmem>>)
      %dma_start3A_79 = arith.constant 0 : i32
      %dma_start3A_80 = arith.constant 0 : i32
      %dma_start3A_81 = tpu.memref_slice %arg2[%dma_start3A_79, %dma_start3A_80] : memref<10000x128xf32, #tpu.memory_space<hbm>> -> memref<10000x128xf32, #tpu.memory_space<hbm>>
      tpu.enqueue_indirect_dma source(%dma_start3A_81 : memref<10000x128xf32, #tpu.memory_space<hbm>>) target(%arg11 : memref<80x128xf32, #tpu.memory_space<vmem>>) offsets(%arg9 : memref<80xi32, #tpu.memory_space<vmem>>) semaphore(%arg13 : memref<!tpu.dma_semaphore, #tpu.memory_space<semaphore_mem>>)
      %dma_wait3A_82 = arith.constant 0 : i32
      %dma_wait3A_83 = arith.constant 0 : i32
      %dma_wait3A_84 = tpu.memref_slice %arg2[%dma_wait3A_82, %dma_wait3A_83] : memref<10000x128xf32, #tpu.memory_space<hbm>> -> memref<10000x128xf32, #tpu.memory_space<hbm>>
      tpu.wait_indirect_dma semaphore(%arg13 : memref<!tpu.dma_semaphore, #tpu.memory_space<semaphore_mem>>) src(%dma_wait3A_84 : memref<10000x128xf32, #tpu.memory_space<hbm>>) dst(%arg11 : memref<80x128xf32, #tpu.memory_space<vmem>>)
      "tpu.region"() ({
        %run_scoped3A = tpu.sem_alloc : memref<!tpu.dma_semaphore, #tpu.memory_space<semaphore_mem>>
        %dma_start3A_85 = arith.constant 0 : i32
        %dma_start3A_86 = arith.constant 0 : i32
        %dma_start3A_87 = tpu.memref_slice %arg12[%dma_start3A_85, %dma_start3A_86] : memref<10000x128xf32, #tpu.memory_space<vmem_shared>> -> memref<10000x128xf32, #tpu.memory_space<vmem_shared>>
        tpu.enqueue_indirect_dma source(%arg11 : memref<80x128xf32, #tpu.memory_space<vmem>>) target(%dma_start3A_87 : memref<10000x128xf32, #tpu.memory_space<vmem_shared>>) offsets(%arg10 : memref<80xi32, #tpu.memory_space<vmem>>) semaphore(%run_scoped3A : memref<!tpu.dma_semaphore, #tpu.memory_space<semaphore_mem>>) {add = true}
        %dma_wait3A_88 = arith.constant 0 : i32
        %dma_wait3A_89 = arith.constant 0 : i32
        %dma_wait3A_90 = tpu.memref_slice %arg12[%dma_wait3A_88, %dma_wait3A_89] : memref<10000x128xf32, #tpu.memory_space<vmem_shared>> -> memref<10000x128xf32, #tpu.memory_space<vmem_shared>>
        tpu.wait_indirect_dma semaphore(%run_scoped3A : memref<!tpu.dma_semaphore, #tpu.memory_space<semaphore_mem>>) src(%arg11 : memref<80x128xf32, #tpu.memory_space<vmem>>) dst(%dma_wait3A_90 : memref<10000x128xf32, #tpu.memory_space<vmem_shared>>)
        tpu.yield
      }) : () -> ()
    }
    %scan3A_16 = arith.constant 62 : i32
    %dma_wait3A = tpu.memref_slice %arg3[%mul3A_4] : memref<320000xi32, #tpu.memory_space<hbm>> -> memref<80xi32, #tpu.memory_space<hbm>>
    %dma_wait3A_17 = tpu.memref_slice %arg3[%mul3A_4] : memref<320000xi32, #tpu.memory_space<hbm>> -> memref<80xi32, #tpu.memory_space<hbm>>
    tpu.wait_dma2 semaphore(%arg14 : memref<!tpu.dma_semaphore, #tpu.memory_space<semaphore_mem>>) src(%dma_wait3A_17 : memref<80xi32, #tpu.memory_space<hbm>>) dst(%arg7 : memref<80xi32, #tpu.memory_space<vmem>>)
    %dma_wait3A_18 = tpu.memref_slice %arg4[%mul3A_4] : memref<320000xi32, #tpu.memory_space<hbm>> -> memref<80xi32, #tpu.memory_space<hbm>>
    %dma_wait3A_19 = tpu.memref_slice %arg4[%mul3A_4] : memref<320000xi32, #tpu.memory_space<hbm>> -> memref<80xi32, #tpu.memory_space<hbm>>
    tpu.wait_dma2 semaphore(%arg14 : memref<!tpu.dma_semaphore, #tpu.memory_space<semaphore_mem>>) src(%dma_wait3A_19 : memref<80xi32, #tpu.memory_space<hbm>>) dst(%arg8 : memref<80xi32, #tpu.memory_space<vmem>>)
    %dma_start3A_20 = arith.constant 0 : i32
    %dma_start3A_21 = arith.constant 0 : i32
    %dma_start3A_22 = tpu.memref_slice %arg2[%dma_start3A_20, %dma_start3A_21] : memref<10000x128xf32, #tpu.memory_space<hbm>> -> memref<10000x128xf32, #tpu.memory_space<hbm>>
    tpu.enqueue_indirect_dma source(%dma_start3A_22 : memref<10000x128xf32, #tpu.memory_space<hbm>>) target(%arg11 : memref<80x128xf32, #tpu.memory_space<vmem>>) offsets(%arg7 : memref<80xi32, #tpu.memory_space<vmem>>) semaphore(%arg13 : memref<!tpu.dma_semaphore, #tpu.memory_space<semaphore_mem>>)
    %dma_wait3A_23 = arith.constant 0 : i32
    %dma_wait3A_24 = arith.constant 0 : i32
    %dma_wait3A_25 = tpu.memref_slice %arg2[%dma_wait3A_23, %dma_wait3A_24] : memref<10000x128xf32, #tpu.memory_space<hbm>> -> memref<10000x128xf32, #tpu.memory_space<hbm>>
    tpu.wait_indirect_dma semaphore(%arg13 : memref<!tpu.dma_semaphore, #tpu.memory_space<semaphore_mem>>) src(%dma_wait3A_25 : memref<10000x128xf32, #tpu.memory_space<hbm>>) dst(%arg11 : memref<80x128xf32, #tpu.memory_space<vmem>>)
    "tpu.region"() ({
      %run_scoped3A = tpu.sem_alloc : memref<!tpu.dma_semaphore, #tpu.memory_space<semaphore_mem>>
      %dma_start3A_32 = arith.constant 0 : i32
      %dma_start3A_33 = arith.constant 0 : i32
      %dma_start3A_34 = tpu.memref_slice %arg12[%dma_start3A_32, %dma_start3A_33] : memref<10000x128xf32, #tpu.memory_space<vmem_shared>> -> memref<10000x128xf32, #tpu.memory_space<vmem_shared>>
      tpu.enqueue_indirect_dma source(%arg11 : memref<80x128xf32, #tpu.memory_space<vmem>>) target(%dma_start3A_34 : memref<10000x128xf32, #tpu.memory_space<vmem_shared>>) offsets(%arg8 : memref<80xi32, #tpu.memory_space<vmem>>) semaphore(%run_scoped3A : memref<!tpu.dma_semaphore, #tpu.memory_space<semaphore_mem>>) {add = true}
      %dma_wait3A_35 = arith.constant 0 : i32
      %dma_wait3A_36 = arith.constant 0 : i32
      %dma_wait3A_37 = tpu.memref_slice %arg12[%dma_wait3A_35, %dma_wait3A_36] : memref<10000x128xf32, #tpu.memory_space<vmem_shared>> -> memref<10000x128xf32, #tpu.memory_space<vmem_shared>>
      tpu.wait_indirect_dma semaphore(%run_scoped3A : memref<!tpu.dma_semaphore, #tpu.memory_space<semaphore_mem>>) src(%arg11 : memref<80x128xf32, #tpu.memory_space<vmem>>) dst(%dma_wait3A_37 : memref<10000x128xf32, #tpu.memory_space<vmem_shared>>)
      tpu.yield
    }) : () -> ()
    %barrier3A_26 = arith.constant 0 : index
    tpu.barrier barrier_id(%barrier3A_26)
    %lt3A_27 = arith.constant 10 : i32
    %lt3A_28 = arith.cmpi slt, %arg1, %lt3A_27 : i32
    %convert_element_type3A_29 = arith.extui %lt3A_28 : i1 to i32
    %cond3A_30 = arith.constant 0 : i32
    %cond3A_31 = arith.cmpi ne, %convert_element_type3A_29, %cond3A_30 : i32
    scf.if %cond3A_31 {
      %mul3A_32 = arith.constant 1000 : i32
      %mul3A_33 = arith.muli %arg1, %mul3A_32 : i32
      %mul3A_34 = arith.constant 1000 : i32
      %mul3A_35 = arith.muli %arg1, %mul3A_34 : i32
      "tpu.region"() ({
        %run_scoped3A = tpu.sem_alloc : memref<!tpu.dma_semaphore, #tpu.memory_space<semaphore_mem>>
        %dma_start3A_36 = arith.constant 0 : i32
        %dma_start3A_37 = tpu.memref_slice %arg6[%arg0, %mul3A_35, %dma_start3A_36] : memref<2x10000x128xf32, #tpu.memory_space<hbm>> -> memref<1x1000x128xf32, #tpu.memory_space<hbm>>
        %dma_start3A_38 = tpu.memref_squeeze %dma_start3A_37 : memref<1x1000x128xf32, #tpu.memory_space<hbm>> -> memref<1000x128xf32, #tpu.memory_space<hbm>>
        %dma_start3A_39 = arith.constant 0 : i32
        %dma_start3A_40 = tpu.memref_slice %arg12[%mul3A_33, %dma_start3A_39] : memref<10000x128xf32, #tpu.memory_space<vmem_shared>> -> memref<1000x128xf32, #tpu.memory_space<vmem_shared>>
        tpu.enqueue_dma source(%dma_start3A_40 : memref<1000x128xf32, #tpu.memory_space<vmem_shared>>) target(%dma_start3A_38 : memref<1000x128xf32, #tpu.memory_space<hbm>>) target_semaphore(%run_scoped3A : memref<!tpu.dma_semaphore, #tpu.memory_space<semaphore_mem>>)
        %dma_wait3A_41 = arith.constant 0 : i32
        %dma_wait3A_42 = tpu.memref_slice %arg6[%arg0, %mul3A_35, %dma_wait3A_41] : memref<2x10000x128xf32, #tpu.memory_space<hbm>> -> memref<1x1000x128xf32, #tpu.memory_space<hbm>>
        %dma_wait3A_43 = tpu.memref_squeeze %dma_wait3A_42 : memref<1x1000x128xf32, #tpu.memory_space<hbm>> -> memref<1000x128xf32, #tpu.memory_space<hbm>>
        %dma_wait3A_44 = arith.constant 0 : i32
        %dma_wait3A_45 = tpu.memref_slice %arg12[%mul3A_33, %dma_wait3A_44] : memref<10000x128xf32, #tpu.memory_space<vmem_shared>> -> memref<1000x128xf32, #tpu.memory_space<vmem_shared>>
        tpu.wait_dma2 semaphore(%run_scoped3A : memref<!tpu.dma_semaphore, #tpu.memory_space<semaphore_mem>>) src(%dma_wait3A_45 : memref<1000x128xf32, #tpu.memory_space<vmem_shared>>) dst(%dma_wait3A_43 : memref<1000x128xf32, #tpu.memory_space<hbm>>)
        tpu.yield
      }) : () -> ()
    } else {
    }
    return
  }
}

module attributes {stable_mosaic.version = 14 : i64} {
  func.func @body(%arg0: i32, %arg1: memref<1000x128xf32, #tpu.memory_space<vmem>>, %arg2: memref<128x128xf32, #tpu.memory_space<vmem>>, %arg3: memref<1000x1xf32, #tpu.memory_space<vmem>>, %arg4: memref<1000x1xf32, #tpu.memory_space<vmem>>, %arg5: memref<1000x128xf32, #tpu.memory_space<vmem>>, %arg6: memref<1000x1xf32, #tpu.memory_space<vmem>>) attributes {dimension_semantics = [#tpu.dimension_semantics<arbitrary>], iteration_bounds = array<i64: 10>, scalar_prefetch = 0 : i64, scratch_operands = 0 : i64, tpu.core_type = #tpu.core_type<tc>, window_params = [{transform_indices = @transform_0, window_bounds = array<i64: 1000, 128>}, {pipeline_mode = #tpu.pipeline_mode<synchronous>, transform_indices = @transform_1, window_bounds = array<i64: 128, 128>}, {transform_indices = @transform_2, window_bounds = array<i64: 1000, 1>}, {transform_indices = @transform_3, window_bounds = array<i64: 1000, 1>}, {transform_indices = @transform_4, window_bounds = array<i64: 1000, 128>}, {transform_indices = @transform_5, window_bounds = array<i64: 1000, 1>}]} {
    %get3A = arith.constant 0 : index
    %get3A_0 = arith.constant 0 : index
    %get3A_1 = vector.load %arg3[%get3A, %get3A_0] : memref<1000x1xf32, #tpu.memory_space<vmem>>, vector<1000x1xf32>
    %get3A_2 = arith.constant 0 : index
    %get3A_3 = arith.constant 0 : index
    %get3A_4 = vector.load %arg4[%get3A_2, %get3A_3] : memref<1000x1xf32, #tpu.memory_space<vmem>>, vector<1000x1xf32>
    %add3A = arith.addf %get3A_1, %get3A_4 : vector<1000x1xf32>
    %add3A_5 = arith.constant 1.000000e+00 : f32
    %add3A_6 = vector.broadcast %add3A_5 : f32 to vector<1000x1xf32>
    %add3A_7 = arith.addf %add3A, %add3A_6 : vector<1000x1xf32>
    %rsqrt3A = math.rsqrt %add3A_7 : vector<1000x1xf32>
    %get3A_8 = arith.constant 0 : index
    %get3A_9 = arith.constant 0 : index
    %get3A_10 = vector.load %arg1[%get3A_8, %get3A_9] : memref<1000x128xf32, #tpu.memory_space<vmem>>, vector<1000x128xf32>
    %get3A_11 = arith.constant 0 : index
    %get3A_12 = arith.constant 0 : index
    %get3A_13 = vector.load %arg2[%get3A_11, %get3A_12] : memref<128x128xf32, #tpu.memory_space<vmem>>, vector<128x128xf32>
    %dot_general3A = arith.constant dense<0.000000e+00> : vector<1000x128xf32>
    %dot_general3A_14 = tpu.matmul %get3A_10, %get3A_13, %dot_general3A {dimension_numbers = #tpu.dot_dimension_numbers<[1], [0], [0], [1], [0, 0, 1, 1], [], []>, transpose_lhs_hint = false} : vector<1000x128xf32>, vector<128x128xf32>, vector<1000x128xf32> -> vector<1000x128xf32>
    %mul3A = vector.broadcast %rsqrt3A : vector<1000x1xf32> to vector<1000x128xf32>
    %mul3A_15 = arith.mulf %mul3A, %dot_general3A_14 : vector<1000x128xf32>
    %swap3A = arith.constant 0 : index
    %swap3A_16 = arith.constant 0 : index
    %swap3A_17 = vector.load %arg5[%swap3A, %swap3A_16] : memref<1000x128xf32, #tpu.memory_space<vmem>>, vector<1000x128xf32>
    tpu.vector_store %arg5[%swap3A, %swap3A_16], %mul3A_15 {strides = array<i32>} : memref<1000x128xf32, #tpu.memory_space<vmem>>, vector<1000x128xf32>,
    %swap3A_18 = arith.constant 0 : index
    %swap3A_19 = arith.constant 0 : index
    %swap3A_20 = vector.load %arg6[%swap3A_18, %swap3A_19] : memref<1000x1xf32, #tpu.memory_space<vmem>>, vector<1000x1xf32>
    tpu.vector_store %arg6[%swap3A_18, %swap3A_19], %rsqrt3A {strides = array<i32>} : memref<1000x1xf32, #tpu.memory_space<vmem>>, vector<1000x1xf32>,
    return
  }
  func.func @transform_0(%arg0: i32) -> (i32, i32) {
    %c0_i32 = arith.constant 0 : i32
    %c0_i32_0 = arith.constant 0 : i32
    return %arg0, %c0_i32 : i32, i32
  }
  func.func @transform_1(%arg0: i32) -> (i32, i32) {
    %c0_i32 = arith.constant 0 : i32
    %c0_i32_0 = arith.constant 0 : i32
    %c0_i32_1 = arith.constant 0 : i32
    return %c0_i32, %c0_i32_0 : i32, i32
  }
  func.func @transform_2(%arg0: i32) -> (i32, i32) {
    %c0_i32 = arith.constant 0 : i32
    %c0_i32_0 = arith.constant 0 : i32
    return %arg0, %c0_i32 : i32, i32
  }
  func.func @transform_3(%arg0: i32) -> (i32, i32) {
    %c0_i32 = arith.constant 0 : i32
    %c0_i32_0 = arith.constant 0 : i32
    return %arg0, %c0_i32 : i32, i32
  }
  func.func @transform_4(%arg0: i32) -> (i32, i32) {
    %c0_i32 = arith.constant 0 : i32
    %c0_i32_0 = arith.constant 0 : i32
    return %arg0, %c0_i32 : i32, i32
  }
  func.func @transform_5(%arg0: i32) -> (i32, i32) {
    %c0_i32 = arith.constant 0 : i32
    %c0_i32_0 = arith.constant 0 : i32
    return %arg0, %c0_i32 : i32, i32
  }
}

module attributes {stable_mosaic.version = 14 : i64} {
  func.func @body(%arg0: i32, %arg1: memref<1000x128xf32, #tpu.memory_space<vmem>>, %arg2: memref<1000x128xf32, #tpu.memory_space<vmem>>, %arg3: memref<1000x128xf32, #tpu.memory_space<vmem>>, %arg4: memref<1000x1xf32, #tpu.memory_space<vmem>>, %arg5: memref<1x128xf32, #tpu.memory_space<vmem>>, %arg6: memref<128x128xf32, #tpu.memory_space<vmem>>, %arg7: memref<1000x128xf32, #tpu.memory_space<vmem>>) attributes {dimension_semantics = [#tpu.dimension_semantics<arbitrary>], iteration_bounds = array<i64: 10>, scalar_prefetch = 0 : i64, scratch_operands = 0 : i64, tpu.core_type = #tpu.core_type<tc>, window_params = [{transform_indices = @transform_0, window_bounds = array<i64: 1000, 128>}, {transform_indices = @transform_1, window_bounds = array<i64: 1000, 128>}, {transform_indices = @transform_2, window_bounds = array<i64: 1000, 128>}, {transform_indices = @transform_3, window_bounds = array<i64: 1000, 1>}, {pipeline_mode = #tpu.pipeline_mode<synchronous>, transform_indices = @transform_4, window_bounds = array<i64: 1, 128>}, {pipeline_mode = #tpu.pipeline_mode<synchronous>, transform_indices = @transform_5, window_bounds = array<i64: 128, 128>}, {transform_indices = @transform_6, window_bounds = array<i64: 1000, 128>}]} {
    %get3A = arith.constant 0 : index
    %get3A_0 = arith.constant 0 : index
    %get3A_1 = vector.load %arg1[%get3A, %get3A_0] : memref<1000x128xf32, #tpu.memory_space<vmem>>, vector<1000x128xf32>
    %get3A_2 = arith.constant 0 : index
    %get3A_3 = arith.constant 0 : index
    %get3A_4 = vector.load %arg2[%get3A_2, %get3A_3] : memref<1000x128xf32, #tpu.memory_space<vmem>>, vector<1000x128xf32>
    %add3A = arith.addf %get3A_1, %get3A_4 : vector<1000x128xf32>
    %get3A_5 = arith.constant 0 : index
    %get3A_6 = arith.constant 0 : index
    %get3A_7 = vector.load %arg3[%get3A_5, %get3A_6] : memref<1000x128xf32, #tpu.memory_space<vmem>>, vector<1000x128xf32>
    %add3A_8 = arith.addf %add3A, %get3A_7 : vector<1000x128xf32>
    %get3A_9 = arith.constant 0 : index
    %get3A_10 = arith.constant 0 : index
    %get3A_11 = vector.load %arg4[%get3A_9, %get3A_10] : memref<1000x1xf32, #tpu.memory_space<vmem>>, vector<1000x1xf32>
    %mul3A = vector.broadcast %get3A_11 : vector<1000x1xf32> to vector<1000x128xf32>
    %mul3A_12 = arith.mulf %mul3A, %add3A_8 : vector<1000x128xf32>
    %get3A_13 = arith.constant 0 : index
    %get3A_14 = arith.constant 0 : index
    %get3A_15 = vector.load %arg5[%get3A_13, %get3A_14] : memref<1x128xf32, #tpu.memory_space<vmem>>, vector<1x128xf32>
    %add3A_16 = vector.broadcast %get3A_15 : vector<1x128xf32> to vector<1000x128xf32>
    %add3A_17 = arith.addf %mul3A_12, %add3A_16 : vector<1000x128xf32>
    %max3A = arith.constant 0.000000e+00 : f32
    %max3A_18 = vector.broadcast %max3A : f32 to vector<1000x128xf32>
    %max3A_19 = arith.maximumf %add3A_17, %max3A_18 : vector<1000x128xf32>
    %get3A_20 = arith.constant 0 : index
    %get3A_21 = arith.constant 0 : index
    %get3A_22 = vector.load %arg6[%get3A_20, %get3A_21] : memref<128x128xf32, #tpu.memory_space<vmem>>, vector<128x128xf32>
    %dot_general3A = arith.constant dense<0.000000e+00> : vector<1000x128xf32>
    %dot_general3A_23 = tpu.matmul %max3A_19, %get3A_22, %dot_general3A {dimension_numbers = #tpu.dot_dimension_numbers<[1], [0], [0], [1], [0, 0, 1, 1], [], []>, transpose_lhs_hint = false} : vector<1000x128xf32>, vector<128x128xf32>, vector<1000x128xf32> -> vector<1000x128xf32>
    %get3A_24 = arith.constant 0 : index
    %get3A_25 = arith.constant 0 : index
    %get3A_26 = vector.load %arg4[%get3A_24, %get3A_25] : memref<1000x1xf32, #tpu.memory_space<vmem>>, vector<1000x1xf32>
    %mul3A_27 = vector.broadcast %get3A_26 : vector<1000x1xf32> to vector<1000x128xf32>
    %mul3A_28 = arith.mulf %mul3A_27, %dot_general3A_23 : vector<1000x128xf32>
    %swap3A = arith.constant 0 : index
    %swap3A_29 = arith.constant 0 : index
    %swap3A_30 = vector.load %arg7[%swap3A, %swap3A_29] : memref<1000x128xf32, #tpu.memory_space<vmem>>, vector<1000x128xf32>
    tpu.vector_store %arg7[%swap3A, %swap3A_29], %mul3A_28 {strides = array<i32>} : memref<1000x128xf32, #tpu.memory_space<vmem>>, vector<1000x128xf32>,
    return
  }
  func.func @transform_0(%arg0: i32) -> (i32, i32) {
    %c0_i32 = arith.constant 0 : i32
    %c0_i32_0 = arith.constant 0 : i32
    return %arg0, %c0_i32 : i32, i32
  }
  func.func @transform_1(%arg0: i32) -> (i32, i32) {
    %c0_i32 = arith.constant 0 : i32
    %c0_i32_0 = arith.constant 0 : i32
    return %arg0, %c0_i32 : i32, i32
  }
  func.func @transform_2(%arg0: i32) -> (i32, i32) {
    %c0_i32 = arith.constant 0 : i32
    %c0_i32_0 = arith.constant 0 : i32
    return %arg0, %c0_i32 : i32, i32
  }
  func.func @transform_3(%arg0: i32) -> (i32, i32) {
    %c0_i32 = arith.constant 0 : i32
    %c0_i32_0 = arith.constant 0 : i32
    return %arg0, %c0_i32 : i32, i32
  }
  func.func @transform_4(%arg0: i32) -> (i32, i32) {
    %c0_i32 = arith.constant 0 : i32
    %c0_i32_0 = arith.constant 0 : i32
    %c0_i32_1 = arith.constant 0 : i32
    return %c0_i32, %c0_i32_0 : i32, i32
  }
  func.func @transform_5(%arg0: i32) -> (i32, i32) {
    %c0_i32 = arith.constant 0 : i32
    %c0_i32_0 = arith.constant 0 : i32
    %c0_i32_1 = arith.constant 0 : i32
    return %c0_i32, %c0_i32_0 : i32, i32
  }
  func.func @transform_6(%arg0: i32) -> (i32, i32) {
    %c0_i32 = arith.constant 0 : i32
    %c0_i32_0 = arith.constant 0 : i32
    return %arg0, %c0_i32 : i32, i32
  }
}

module attributes {stable_mosaic.version = 14 : i64} {
  func.func @body(%arg0: i32, %arg1: memref<1000x128xf32, #tpu.memory_space<vmem>>, %arg2: memref<1000x128xf32, #tpu.memory_space<vmem>>, %arg3: memref<1000x128xf32, #tpu.memory_space<vmem>>, %arg4: memref<1000x1xf32, #tpu.memory_space<vmem>>, %arg5: memref<1x128xf32, #tpu.memory_space<vmem>>, %arg6: memref<1000x1xi32, #tpu.memory_space<vmem>>, %arg7: memref<128x2xf32, #tpu.memory_space<vmem>>, %arg8: memref<1x2xf32, #tpu.memory_space<vmem>>, %arg9: memref<64x2xf32, #tpu.memory_space<vmem>>, %arg10: memref<64x128xf32, #tpu.memory_space<vmem>>) attributes {dimension_semantics = [#tpu.dimension_semantics<arbitrary>], iteration_bounds = array<i64: 10>, scalar_prefetch = 0 : i64, scratch_operands = 1 : i64, tpu.core_type = #tpu.core_type<tc>, window_params = [{transform_indices = @transform_0, window_bounds = array<i64: 1000, 128>}, {transform_indices = @transform_1, window_bounds = array<i64: 1000, 128>}, {transform_indices = @transform_2, window_bounds = array<i64: 1000, 128>}, {transform_indices = @transform_3, window_bounds = array<i64: 1000, 1>}, {pipeline_mode = #tpu.pipeline_mode<synchronous>, transform_indices = @transform_4, window_bounds = array<i64: 1, 128>}, {transform_indices = @transform_5, window_bounds = array<i64: 1000, 1>}, {pipeline_mode = #tpu.pipeline_mode<synchronous>, transform_indices = @transform_6, window_bounds = array<i64: 128, 2>}, {pipeline_mode = #tpu.pipeline_mode<synchronous>, transform_indices = @transform_7, window_bounds = array<i64: 1, 2>}, {pipeline_mode = #tpu.pipeline_mode<synchronous>, transform_indices = @transform_8, window_bounds = array<i64: 64, 2>}]} {
    %get3A = arith.constant 0 : index
    %get3A_0 = arith.constant 0 : index
    %get3A_1 = vector.load %arg1[%get3A, %get3A_0] : memref<1000x128xf32, #tpu.memory_space<vmem>>, vector<1000x128xf32>
    %get3A_2 = arith.constant 0 : index
    %get3A_3 = arith.constant 0 : index
    %get3A_4 = vector.load %arg2[%get3A_2, %get3A_3] : memref<1000x128xf32, #tpu.memory_space<vmem>>, vector<1000x128xf32>
    %add3A = arith.addf %get3A_1, %get3A_4 : vector<1000x128xf32>
    %get3A_5 = arith.constant 0 : index
    %get3A_6 = arith.constant 0 : index
    %get3A_7 = vector.load %arg3[%get3A_5, %get3A_6] : memref<1000x128xf32, #tpu.memory_space<vmem>>, vector<1000x128xf32>
    %add3A_8 = arith.addf %add3A, %get3A_7 : vector<1000x128xf32>
    %get3A_9 = arith.constant 0 : index
    %get3A_10 = arith.constant 0 : index
    %get3A_11 = vector.load %arg4[%get3A_9, %get3A_10] : memref<1000x1xf32, #tpu.memory_space<vmem>>, vector<1000x1xf32>
    %mul3A = vector.broadcast %get3A_11 : vector<1000x1xf32> to vector<1000x128xf32>
    %mul3A_12 = arith.mulf %mul3A, %add3A_8 : vector<1000x128xf32>
    %get3A_13 = arith.constant 0 : index
    %get3A_14 = arith.constant 0 : index
    %get3A_15 = vector.load %arg5[%get3A_13, %get3A_14] : memref<1x128xf32, #tpu.memory_space<vmem>>, vector<1x128xf32>
    %add3A_16 = vector.broadcast %get3A_15 : vector<1x128xf32> to vector<1000x128xf32>
    %add3A_17 = arith.addf %mul3A_12, %add3A_16 : vector<1000x128xf32>
    %max3A = arith.constant 0.000000e+00 : f32
    %max3A_18 = vector.broadcast %max3A : f32 to vector<1000x128xf32>
    %max3A_19 = arith.maximumf %add3A_17, %max3A_18 : vector<1000x128xf32>
    %iota3A = tpu.iota {dimensions = array<i32: 1>} : vector<1000x64xi32>
    %get3A_20 = arith.constant 0 : index
    %get3A_21 = arith.constant 0 : index
    %get3A_22 = vector.load %arg6[%get3A_20, %get3A_21] : memref<1000x1xi32, #tpu.memory_space<vmem>>, vector<1000x1xi32>
    %eq3A = vector.broadcast %get3A_22 : vector<1000x1xi32> to vector<1000x64xi32>
    %eq3A_23 = arith.cmpi eq, %eq3A, %iota3A : vector<1000x64xi32>
    %convert_element_type3A = arith.extui %eq3A_23 : vector<1000x64xi1> to vector<1000x64xi32>
    %convert_element_type3A_24 = arith.sitofp %convert_element_type3A : vector<1000x64xi32> to vector<1000x64xf32>
    %dot_general3A = arith.constant dense<0.000000e+00> : vector<64x128xf32>
    %dot_general3A_25 = tpu.matmul %convert_element_type3A_24, %max3A_19, %dot_general3A {dimension_numbers = #tpu.dot_dimension_numbers<[0], [0], [1], [1], [0, 1, 1, 1], [], []>, transpose_lhs_hint = false} : vector<1000x64xf32>, vector<1000x128xf32>, vector<64x128xf32> -> vector<64x128xf32>
    %eq3A_26 = arith.constant 0 : i32
    %eq3A_27 = arith.cmpi eq, %arg0, %eq3A_26 : i32
    %convert_element_type3A_28 = arith.extui %eq3A_27 : i1 to i32
    %cond3A = arith.constant 0 : i32
    %cond3A_29 = arith.cmpi ne, %convert_element_type3A_28, %cond3A : i32
    scf.if %cond3A_29 {
      %swap3A = arith.constant 0 : index
      %swap3A_39 = arith.constant 0 : index
      %swap3A_40 = vector.load %arg10[%swap3A, %swap3A_39] : memref<64x128xf32, #tpu.memory_space<vmem>>, vector<64x128xf32>
      tpu.vector_store %arg10[%swap3A, %swap3A_39], %dot_general3A_25 {strides = array<i32>} : memref<64x128xf32, #tpu.memory_space<vmem>>, vector<64x128xf32>,
    } else {
    }
    %gt3A = arith.constant 0 : i32
    %gt3A_30 = arith.cmpi sgt, %arg0, %gt3A : i32
    %convert_element_type3A_31 = arith.extui %gt3A_30 : i1 to i32
    %cond3A_32 = arith.constant 0 : i32
    %cond3A_33 = arith.cmpi ne, %convert_element_type3A_31, %cond3A_32 : i32
    scf.if %cond3A_33 {
      %get3A_39 = arith.constant 0 : index
      %get3A_40 = arith.constant 0 : index
      %get3A_41 = vector.load %arg10[%get3A_39, %get3A_40] : memref<64x128xf32, #tpu.memory_space<vmem>>, vector<64x128xf32>
      %add3A_42 = arith.addf %get3A_41, %dot_general3A_25 : vector<64x128xf32>
      %swap3A = arith.constant 0 : index
      %swap3A_43 = arith.constant 0 : index
      %swap3A_44 = vector.load %arg10[%swap3A, %swap3A_43] : memref<64x128xf32, #tpu.memory_space<vmem>>, vector<64x128xf32>
      tpu.vector_store %arg10[%swap3A, %swap3A_43], %add3A_42 {strides = array<i32>} : memref<64x128xf32, #tpu.memory_space<vmem>>, vector<64x128xf32>,
    } else {
    }
    %eq3A_34 = arith.constant 9 : i32
    %eq3A_35 = arith.cmpi eq, %arg0, %eq3A_34 : i32
    %convert_element_type3A_36 = arith.extui %eq3A_35 : i1 to i32
    %cond3A_37 = arith.constant 0 : i32
    %cond3A_38 = arith.cmpi ne, %convert_element_type3A_36, %cond3A_37 : i32
    scf.if %cond3A_38 {
      %get3A_39 = arith.constant 0 : index
      %get3A_40 = arith.constant 0 : index
      %get3A_41 = vector.load %arg10[%get3A_39, %get3A_40] : memref<64x128xf32, #tpu.memory_space<vmem>>, vector<64x128xf32>
      %get3A_42 = arith.constant 0 : index
      %get3A_43 = arith.constant 0 : index
      %get3A_44 = vector.load %arg7[%get3A_42, %get3A_43] : memref<128x2xf32, #tpu.memory_space<vmem>>, vector<128x2xf32>
      %dot_general3A_45 = arith.constant dense<0.000000e+00> : vector<64x2xf32>
      %dot_general3A_46 = tpu.matmul %get3A_41, %get3A_44, %dot_general3A_45 {dimension_numbers = #tpu.dot_dimension_numbers<[1], [0], [0], [1], [0, 0, 1, 1], [], []>, transpose_lhs_hint = false} : vector<64x128xf32>, vector<128x2xf32>, vector<64x2xf32> -> vector<64x2xf32>
      %get3A_47 = arith.constant 0 : index
      %get3A_48 = arith.constant 0 : index
      %get3A_49 = vector.load %arg8[%get3A_47, %get3A_48] : memref<1x2xf32, #tpu.memory_space<vmem>>, vector<1x2xf32>
      %add3A_50 = vector.broadcast %get3A_49 : vector<1x2xf32> to vector<64x2xf32>
      %add3A_51 = arith.addf %dot_general3A_46, %add3A_50 : vector<64x2xf32>
      %swap3A = arith.constant 0 : index
      %swap3A_52 = arith.constant 0 : index
      %swap3A_53 = vector.load %arg9[%swap3A, %swap3A_52] : memref<64x2xf32, #tpu.memory_space<vmem>>, vector<64x2xf32>
      tpu.vector_store %arg9[%swap3A, %swap3A_52], %add3A_51 {strides = array<i32>} : memref<64x2xf32, #tpu.memory_space<vmem>>, vector<64x2xf32>,
    } else {
    }
    return
  }
  func.func @transform_0(%arg0: i32) -> (i32, i32) {
    %c0_i32 = arith.constant 0 : i32
    %c0_i32_0 = arith.constant 0 : i32
    return %arg0, %c0_i32 : i32, i32
  }
  func.func @transform_1(%arg0: i32) -> (i32, i32) {
    %c0_i32 = arith.constant 0 : i32
    %c0_i32_0 = arith.constant 0 : i32
    return %arg0, %c0_i32 : i32, i32
  }
  func.func @transform_2(%arg0: i32) -> (i32, i32) {
    %c0_i32 = arith.constant 0 : i32
    %c0_i32_0 = arith.constant 0 : i32
    return %arg0, %c0_i32 : i32, i32
  }
  func.func @transform_3(%arg0: i32) -> (i32, i32) {
    %c0_i32 = arith.constant 0 : i32
    %c0_i32_0 = arith.constant 0 : i32
    return %arg0, %c0_i32 : i32, i32
  }
  func.func @transform_4(%arg0: i32) -> (i32, i32) {
    %c0_i32 = arith.constant 0 : i32
    %c0_i32_0 = arith.constant 0 : i32
    %c0_i32_1 = arith.constant 0 : i32
    return %c0_i32, %c0_i32_0 : i32, i32
  }
  func.func @transform_5(%arg0: i32) -> (i32, i32) {
    %c0_i32 = arith.constant 0 : i32
    %c0_i32_0 = arith.constant 0 : i32
    return %arg0, %c0_i32 : i32, i32
  }
  func.func @transform_6(%arg0: i32) -> (i32, i32) {
    %c0_i32 = arith.constant 0 : i32
    %c0_i32_0 = arith.constant 0 : i32
    %c0_i32_1 = arith.constant 0 : i32
    return %c0_i32, %c0_i32_0 : i32, i32
  }
  func.func @transform_7(%arg0: i32) -> (i32, i32) {
    %c0_i32 = arith.constant 0 : i32
    %c0_i32_0 = arith.constant 0 : i32
    %c0_i32_1 = arith.constant 0 : i32
    return %c0_i32, %c0_i32_0 : i32, i32
  }
  func.func @transform_8(%arg0: i32) -> (i32, i32) {
    %c0_i32 = arith.constant 0 : i32
    %c0_i32_0 = arith.constant 0 : i32
    %c0_i32_1 = arith.constant 0 : i32
    return %c0_i32, %c0_i32_0 : i32, i32
  }
}

</mosaic_0001>

<sc_bundles>
// kernel: kernel.11.cloned.1.call-start
scs
__scs_entry_jumppad:
0x0: {  	(pc) =	sbr.rel $0x88, $3  }
0x1: {  	(tag) =	ssettag $0x0;
	lr =	simm.s32 $0x1  }
0x2: {  	[smem:$0x3F98] =	sst lr;
	_ =	strace $0xD0000000  }
0x3: {  	_ = 	snop  }
0x4: {  	_ = 	snop  }
0x5: {  	_ = 	snop  }
0x6: {  	_ = 	snop  }
0x7: {  	_ = 	snop  }
__scs_overlays_trampoline_lowered:
0x8: {  	[smem:$0x3FA7] =	sst s0  }
0x9: {  	[smem:$0x3FA8] =	sst s1  }
0xa: {  	[smem:$0x3FA9] =	sst s2  }
0xb: {  	[smem:$0x3FAA] =	sst s3  }
0xc: {  	[smem:$0x3FAB] =	sst s4  }
0xd: {  	[smem:$0x3FAC] =	sst s5  }
0xe: {  	[smem:$0x3FAD] =	sst s6  }
0xf: {  	[smem:$0x3FAE] =	sst s7  }
0x10: {  	[smem:$0x3FAF] =	sst s8  }
0x11: {  	[smem:$0x3FB0] =	sst s9;
	s0 =	simm.s32 @!p0 $0x0  }
0x12: {  	s1 =	sld [smem:$0x3F96];
	s0 =	simm.s32 @p0 $0x1  }
0x13: {  	[smem:$0x3FB1] =	sst s0;
	s0 =	simm.s32 @!p1 $0x0  }
0x14: {  	s2 =	sld [smem:$0x3F95];
	s0 =	simm.s32 @p1 $0x1  }
0x15: {  	[smem:$0x3FB2] =	sst s0;
	s0 =	simm.s32 @!p2 $0x0  }
0x16: {  	s3 =	sld [smem:$0x3FDB];
	s0 =	simm.s32 @p2 $0x1  }
0x17: {  	s4 =	simm.s32 $0x1BF5;
	[smem:$0x3FB4] =	sst s0  }
0x18: {  	s0 =	sld [smem:$0x3F97];
	_ =	swait.ge [sflag:s4], $0x0  }
0x19: {  	s7 =	sld [smem:$0x3F98]  }
0x1a: {  	s8 =	sadd.s32 $0xFFFFE003, lr  }
0x1b: {  	s9 =	sadd.s32 $0xFFFFFEF7, lr;
	s5 =	simm.s32 $0xFFFFFFFF;
	p2 =	slt.u32 s8, $0xFFFFF086  }
0x1c: {  	p1 =	slt.u32 s9, $0xF7A;
	s5 =	simm.s32 @!p2 $0x0  }
0x1d: {  	s5 =	simm.s32 @p1 $0x1;
	p0 =	seq.s32 s7, s2  }
0x1e: {  	s7 =	smul.u32 @!p0 $0xF7A, s2;
	p2 =	seq.s32 @!p0 s5, $0x0  }
0x1f: {  	s9 =	smul.u32 $0xF7A, s1;
	s8 =	simm.s32 @!p0 $0x1BF5;
	p2 =	por !p2, p0  }
0x20: {  	[sflag:s8] =	ssyncset.s32 @!p0 $0xFFFFF086;
	s6 =	sadd.s32 @!p0 s3, s7;
	s7 =	simm.s32 @!p0 $0x108  }
0x21: {  	s3 =	sadd.s32 s3, s9;
	s6 =	sadd.s32 @!p0 $0x88, s6;
	s7 =	simm.s32 @p2 $0x1082  }
0x22: {  	[simem:s7], [sflag:s8] =	dma.local @!p0 [hbm:s6], $0xF7A  }
0x23: {  	s9 =	sor.u32 $0xD0000000, s2;
	s6 =	simm.s32 $0x108;
	_ =	swait.ge @!p0 [sflag:s8], $0x0  }
0x24: {  	s3 =	sadd.s32 $0x88, s3;
	s6 =	simm.s32 @!p1 $0x1082;
	[sflag:s4] =	ssyncset.s32 $0xFFFFF086  }
0x25: {  	[simem:s6], [sflag:s4] =	dma.local [hbm:s3], $0xF7A  }
0x26: {  	[smem:$0x3F98] =	sst s1;
	(tag) =	ssettag s2;
	_ =	strace s9  }
0x27: {  	s1 =	sld [smem:$0x3FA8]  }
0x28: {  	s2 =	sld [smem:$0x3FA9]  }
0x29: {  	s4 =	sld [smem:$0x3FAB]  }
0x2a: {  	p0 =	seq.s32 s5, $0x0;
	s5 =	sld [smem:$0x3FAC]  }
0x2b: {  	s6 =	sld [smem:$0x3FAD]  }
0x2c: {  	s7 =	sld [smem:$0x3FAE]  }
0x2d: {  	s3 =	simm.s32 $0x108;
	s8 =	sld [smem:$0x3FAF]  }
0x2e: {  	s3 =	simm.s32 @!p0 $0x1082;
	s9 =	sld [smem:$0x3FB0]  }
0x2f: {  	lr =	sadd.s32 s0, s3;
	s0 =	sld [smem:$0x3FA7]  }
0x30: {  	s3 =	sld [smem:$0x3FAA]  }
0x31: {  	[smem:$0x3FB3] =	sst s10  }
0x32: {  	s10 =	sld [smem:$0x3FB1];
	_ =	sdelay $0x3  }
0x33: {  	p0 =	seq.s32 s10, $0x1;
	s10 =	sld [smem:$0x3FB3];
	_ =	sdelay $0x3  }
0x34: {  	[smem:$0x3FB3] =	sst s10  }
0x35: {  	s10 =	sld [smem:$0x3FB2];
	_ =	sdelay $0x3  }
0x36: {  	p1 =	seq.s32 s10, $0x1;
	s10 =	sld [smem:$0x3FB3];
	_ =	sdelay $0x3  }
0x37: {  	[smem:$0x3FB3] =	sst s10  }
0x38: {  	s10 =	sld [smem:$0x3FB4]  }
0x39: {  	_ = 	snop;
	(pc) =	sbr.ind lr, $3  }
0x3a: {  	_ = 	snop  }
0x3b: {  	_ = 	snop  }
0x3c: {  	p2 =	seq.s32 s10, $0x1;
	s10 =	sld [smem:$0x3FB3]  }
0x3d: {  	_ =	shalt  }
0x3e: {  	_ =	shalt  }
0x3f: {  	_ =	shalt  }
0x40: {  	_ =	shalt  }
0x41: {  	_ =	shalt  }
0x42: {  	_ =	shalt  }
0x43: {  	_ =	shalt  }
0x44: {  	_ =	shalt  }
0x45: {  	_ =	shalt  }
0x46: {  	_ =	shalt  }
0x47: {  	_ =	shalt  }
0x48: {  	_ =	shalt  }
0x49: {  	_ =	shalt  }
0x4a: {  	_ =	shalt  }
0x4b: {  	_ =	shalt  }
0x4c: {  	_ =	shalt  }
0x4d: {  	_ =	shalt  }
0x4e: {  	_ =	shalt  }
0x4f: {  	_ =	shalt  }
0x50: {  	_ =	shalt  }
0x51: {  	_ =	shalt  }
0x52: {  	_ =	shalt  }
0x53: {  	_ =	shalt  }
0x54: {  	_ =	shalt  }
0x55: {  	_ =	shalt  }
0x56: {  	_ =	shalt  }
0x57: {  	_ =	shalt  }
0x58: {  	_ =	shalt  }
0x59: {  	_ =	shalt  }
0x5a: {  	_ =	shalt  }
0x5b: {  	_ =	shalt  }
0x5c: {  	_ =	shalt  }
0x5d: {  	_ =	shalt  }
0x5e: {  	_ =	shalt  }
0x5f: {  	_ =	shalt  }
0x60: {  	_ =	shalt  }
0x61: {  	_ =	shalt  }
0x62: {  	_ =	shalt  }
0x63: {  	_ =	shalt  }
0x64: {  	_ =	shalt  }
0x65: {  	_ =	shalt  }
0x66: {  	_ =	shalt  }
0x67: {  	_ =	shalt  }
0x68: {  	_ =	shalt  }
0x69: {  	_ =	shalt  }
0x6a: {  	_ =	shalt  }
0x6b: {  	_ =	shalt  }
0x6c: {  	_ =	shalt  }
0x6d: {  	_ =	shalt  }
0x6e: {  	_ =	shalt  }
0x6f: {  	_ =	shalt  }
0x70: {  	_ =	shalt  }
0x71: {  	_ =	shalt  }
0x72: {  	_ =	shalt  }
0x73: {  	_ =	shalt  }
0x74: {  	_ =	shalt  }
0x75: {  	_ =	shalt  }
0x76: {  	_ =	shalt  }
0x77: {  	_ =	shalt  }
0x78: {  	_ =	shalt  }
0x79: {  	_ =	shalt  }
0x7a: {  	_ =	shalt  }
0x7b: {  	_ =	shalt  }
0x7c: {  	_ =	shalt  }
0x7d: {  	_ =	shalt  }
0x7e: {  	_ =	shalt  }
0x7f: {  	_ =	shalt  }
0x80: {  	_ =	shalt  }
0x81: {  	_ =	shalt  }
0x82: {  	_ =	shalt  }
0x83: {  	_ =	shalt  }
0x84: {  	_ =	shalt  }
0x85: {  	_ =	shalt  }
0x86: {  	_ =	shalt  }
0x87: {  	_ =	shalt  }
.Lfunc_end0:
.L_simem_size_0:
called_computation.1_lowered:
.L_overlay_start_0:
0x88: {  	s2 =	sld [smem:$0x3FD9]  }
0x89: {  	s3 =	sld [smem:$0x3FFE];
	_ =	sdelay $0x1  }
0x8a: {  	s1 =	srdreg.scid  }
0x8b: {  	s0 =	sand.u32 $0x1, s1  }
0x8c: {  	s16 =	sshll.u32 s0, $0xA;
	s2 =	sadd.s32 s3, s2  }
0x8d: {  	s2 =	sadd.s32 s2, s16  }
0x8e: {  	[smem:$0x3FBF] =	sst s2  }
0x8f: {  	_ = 	snop  }
0x90: {  	(tm) =	ssettm $0x1  }
0x91: {  	s17 =	sld [smem:$0x3FFB];
	_ =	sdelay $0x3  }
0x92: {  	_ =	strace s17  }
0x93: {  	s2 =	sld [smem:$0x3FFC];
	_ =	sdelay $0x3  }
0x94: {  	_ =	strace s2  }
0x95: {  	s2 =	sld [smem:$0x3FFD];
	_ =	sdelay $0x3  }
0x96: {  	_ =	strace s2  }
0x97: {  	_ =	strace $0x8FFFFFFF  }
0x98: {  	s18 =	sld [smem:$0x3FDB];
	_ =	sdelay $0x1  }
0x99: {  	s19 =	simm.s32 $_scs_section_size  }
0x9a: {  	s4 =	simm.s32 $_size__tile_overlayer_lowered;
	s5 =	simm.s32 $_tile_overlayer_lowered  }
0x9b: {  	s22 =	simm.s32 $0x1BFF;
	s21 =	sshll.u32 s5, $0x1;
	s2 =	sadd.s32 s19, s18  }
0x9c: {  	s6 =	simm.s32 $0x0;
	s20 =	sshll.u32 s4, $0x1;
	s4 =	sadd.s32 s21, s2  }
0x9d: {  	[timem:s6], [sflag:s22] =	dma.local [hbm:s4], s20  }
0x9e: {  	_ =	swait.ge [sflag:s22], s20  }
0x9f: {  	s3 =	ssub.s32 $0x0, s20;
	[sflag:s22] =	ssyncset.done $0x0  }
0xa0: {  	[sflag:s22] =	ssyncadd.s32 s3;
	_ =	sdelay $0x1  }
0xa1: {  	s23 =	simm.s32 $0x1B8B  }
0xa2: {  	_ =	swait.ge [sflag:s23], $0x1  }
0xa3: {  	[sflag:s23] =	ssyncset.done $0x0  }
0xa4: {  	s25 =	simm.s32 $0x1B8E;
	s24 =	sld [smem:$0x3FFE];
	[sflag:s23] =	ssyncadd.s32 $0xFFFFFFFF  }
0xa5: {  	s26 =	simm.s32 $execute0_lowered;
	[smem:$0x3FD2] =	sst s25  }
0xa6: {  	s4 =	sshll.u32 s26, $0x1;
	_ =	strace $0x80000049;
	[dreg:$0x1] =	wrdreg $0xFFFFFFFF  }
0xa7: {  	s28 =	simm.s32 $_size_execute0_lowered;
	s2 =	sadd.s32 s2, s4;
	[dreg:$0x0] =	wrdreg $0x0  }
0xa8: {  	s4 =	sshll.u32 s28, $0x1;
	[dreg:$0x2] =	wrdreg s2  }
0xa9: {  	[dreg:$0x3] =	wrdreg s4  }
0xaa: {  	[dreg:$0x4] =	wrdreg $0xC0  }
0xab: {  	_ =	task [dreg:s6], $0x5FFFF  }
0xac: {  	[dreg:$0x1] =	wrdreg $0xFFFFFFFF  }
0xad: {  	[dreg:$0x0] =	wrdreg $0x60  }
0xae: {  	[dreg:$0x2] =	wrdreg s24  }
0xaf: {  	[dreg:$0x3] =	wrdreg $0x2A000  }
0xb0: {  	[dreg:$0x4] =	wrdreg $0x9  }
0xb1: {  	_ =	task.clear_ibuf [dreg:s6], $0x5FFFF;
	_ =	strace $0x90000049  }
0xb2: {  	s29 =	simm.s32 $0x9;
	_ =	strace $0x8000004B  }
0xb3: {  	_ =	swait.ge [sflag:s29], $0x1  }
0xb4: {  	[sflag:s29] =	ssyncadd.s32 $0xFFFFFFFF  }
0xb5: {  	_ =	strace $0x9000004B  }
0xb6: {  	_ =	sfence  }
0xb7: {  	s30 =	sld [smem:$0x0];
	_ =	sdelay $0x2  }
0xb8: {  	s31 =	sshll.u32 s1, $0xD;
	s1 =	sshrl.u32 s1, $0x2  }
0xb9: {  	s3 =	sand.u32 $0x4000, s31;
	s1 =	sadd.s32 s1, s30  }
0xba: {  	s0 =	sor.u32 s3, s0;
	s1 =	sshll.u32 s1, $0x11  }
0xbb: {  	s0 =	sor.u32 s1, s0  }
0xbc: {  	s0 =	sadd.s32 $0x8F2B, s0  }
0xbd: {  	[sflag:s0] =	ssyncadd.remote.s32 $0x1  }
0xbe: {  	_ =	sfence.sel $0xFFFF  }
0xbf: {  	[dreg:$0x0] =	wrdreg $0xFFFFFFFF;
	(pc) =	sbr.abs _section_cstart, $3  }
0xc0: {  	[dreg:$0x1] =	wrdreg $0xFFFFFFFF  }
0xc1: {  	_ =	task.clear_ibuf [dreg:s6], $0x2FFFF;
	_ =	strace $0x9FFFFFFF  }
0xc2: {  	(tm) =	ssettm $0x7FFFFFFF  }
0xc3: {  	_ =	shalt  }
tec
execute0_lowered:
.L_overlay_start_1:
0x0: {  	(tag) =	ssettag $0x1  }
0x1: {  	s7 =	rddreg [dreg:$0x0]  }
0x2: {  	s2 =	rddreg [dreg:$0x1];
	s3 =	simm.s32 $0x0;
	s0 =	stileid.u32  }
0x3: {  	s4 =	srdreg.scid;
	s17 =	simm.s32 $0x80;
	s18 =	simm.s32 $0x100  }
0x4: {  	s19 =	simm.s32 $0x180;
	s20 =	simm.s32 $0x2;
	s21 =	simm.s32 $0x50  }
0x5: {  	s22 =	simm.s32 $0x200;
	[smem:$0x7FF] =	sst s3;
	s8 =	smul.u32 $0x3E80, s0  }
0x6: {  	s9 =	sand.u32 $0x1, s4;
	s4 =	sadd.s32 $0x4D000, s7;
	s11 =	smul.u32 $0x1F400, s0  }
0x7: {  	s5 =	sadd.s32 $0x4200, s7;
	s6 =	sadd.s32 $0xE000, s7;
	s24 =	smul.u32 $0x7D000, s0  }
0x8: {  	s12 =	sshll.u32 s0, $0x1;
	s14 =	smul.u32 $0x4E20, s0;
	p0 =	sgt.u32 s0, $0x9  }
0x9: {  	_ =	strace $0x8000004A;
	s10 =	smul.u32 $0x138800, s9;
	s23 =	sor.u32 s9, s12  }
0xa: {  	s13 =	ssub.s32 $0x2, s9;
	s28 =	smul.u32 $0x2710, s9;
	s15 =	sshll.u32 @!p0 s0, $0x6  }
0xb: {  	s8 =	sadd.s32 s8, s7;
	s25 =	sshrl.u32 s13, $0x1;
	s26 =	sshrl.u32 s24, $0x2  }
0xc: {  	s15 =	sor.u32 @!p0 $0x1C04, s15;
	s24 =	simm.s32 $0x4;
	s10 =	sadd.s32 s11, s10  }
0xd: {  	s11 =	smul.u32 $0x2710, s23;
	s13 =	ssub.s32 s13, s25;
	s16 =	sadd.s32 s26, s2  }
0xe: {  	s12 =	sadd.s32 s28, s14;
	s23 =	simm.s32 $0x1;
	s25 =	simm.s32 $0x3  }
0xf: {  	s26 =	simm.s32 $0x0;
	s10 =	sshrl.u32 s10, $0x3;
	s30 =	sadd.s32 $0x50, s12  }
0x10: {  	s12 =	sadd.s32 $0xA0, s12;
	s16 =	sshrl.u32 @!p0 s16, $0x3;
	s10 =	sadd.s32 s10, s7  }
0x11: {  	s7 =	sadd.s32 $0x21E00, s8;
	s29 =	sshrl.u32 s11, $0x3;
	s11 =	smax.u32 s13, $0x1  }
0x12: {  	s31 =	sshrl.u32 s30, $0x3;
	s8 =	sadd.s32 s5, s29;
	s9 =	sadd.s32 s6, s29  }
0x13: {  	s10 =	sadd.s32 $0x9B400, s10;
	s13 =	sadd.s32 s31, s6;
	s14 =	sadd.s32 s31, s5  }
.LBB2_1:
0x14: {  	[spmem:s16], [sflag:s15] =	dma.local @!p0 [hbm:s7], $0x3E80  }
0x15: {  	s28 =	simm.s32 @!p0 $0x4  }
0x16: {  	_ =	swait.ge @!p0 [sflag:s28], $0x3E80  }
0x17: {  	[sflag:s28] =	ssyncset.done @!p0 $0x0  }
0x18: {  	[sflag:s28] =	ssyncadd.s32 @!p0 $0xFFFFC180  }
0x19: {  	[bflag:$0x0] =	sbarrier.arrive $0xFFFF  }
0x1a: {  	[tilespmem:s3], [sflag:$0x2] =	stream.linear.gather [hbm4b:s8+s3], $0x50, $0x38;
	[tilespmem:$0x16280] =	vst v63  }
0x1b: {  	_ = 	snop  }
0x1c: {  	[tilespmem:s17], [sflag:$0x2] =	stream.linear.gather [hbm4b:s9+s3], $0x50, $0x38;
	[tilespmem:$0x16280] =	vst v63  }
0x1d: {  	s28 =	sadd.s32 $0x0, s14  }
0x1e: {  	[tilespmem:s18], [sflag:$0x3] =	stream.linear.gather [hbm4b:s28+s3], $0x50, $0x38;
	[tilespmem:$0x16280] =	vst v63  }
0x1f: {  	s28 =	sadd.s32 $0x0, s13  }
0x20: {  	[tilespmem:s19], [sflag:$0x3] =	stream.linear.gather [hbm4b:s28+s3], $0x50, $0x38;
	[tilespmem:$0x16280] =	vst v63  }
0x21: {  	_ =	swait.ge [sflag:s20], $0x50  }
0x22: {  	[sflag:s20] =	ssyncset.done $0x0  }
0x23: {  	[sflag:s20] =	ssyncadd.s32 $0xFFFFFFB0  }
0x24: {  	_ =	swait.ge [sflag:s20], $0x50  }
0x25: {  	[sflag:s20] =	ssyncset.done $0x0  }
0x26: {  	[sflag:s20] =	ssyncadd.s32 $0xFFFFFFB0  }
0x27: {  	[tilespmem:s22], [sflag:$0x1] =	stream.indirect.gather [hbm4b:s4+s21], $0x80, s3, s21, $0xb8;
	[tilespmem:$0x16280] =	vst v63  }
0x28: {  	_ =	swait.ge [sflag:s23], $0x2800  }
0x29: {  	[sflag:s23] =	ssyncset.done $0x0  }
0x2a: {  	[sflag:s23] =	ssyncadd.s32 $0xFFFFD800  }
0x2b: {  	[spmem:s2] =	stream.indirect.scatter.add.f32 [tilespmem:s22], [sflag:$0x4], $0x80, s17, s21, $0xb8;
	[tilespmem:$0x16280] =	vst v63  }
0x2c: {  	_ =	swait.ge [sflag:s24], $0x2800  }
0x2d: {  	s28 =	sshrl.u32 s12, $0x3;
	[sflag:s24] =	ssyncset.done $0x0  }
0x2e: {  	s29 =	sadd.s32 s5, s28;
	[sflag:s24] =	ssyncadd.s32 $0xFFFFD800  }
0x2f: {  	[tilespmem:s3], [sflag:$0x2] =	stream.linear.gather [hbm4b:s29+s3], $0x50, $0x38;
	[tilespmem:$0x16280] =	vst v63  }
0x30: {  	s28 =	sadd.s32 s6, s28  }
0x31: {  	[tilespmem:s17], [sflag:$0x2] =	stream.linear.gather [hbm4b:s28+s3], $0x50, $0x38;
	[tilespmem:$0x16280] =	vst v63  }
0x32: {  	_ =	swait.ge [sflag:s25], $0x50  }
0x33: {  	[sflag:s25] =	ssyncset.done $0x0  }
0x34: {  	[sflag:s25] =	ssyncadd.s32 $0xFFFFFFB0  }
0x35: {  	_ =	swait.ge [sflag:s25], $0x50  }
0x36: {  	[sflag:s25] =	ssyncset.done $0x0  }
0x37: {  	[sflag:s25] =	ssyncadd.s32 $0xFFFFFFB0  }
0x38: {  	[tilespmem:s22], [sflag:$0x1] =	stream.indirect.gather [hbm4b:s4+s21], $0x80, s18, s21, $0xb8;
	[tilespmem:$0x16280] =	vst v63  }
0x39: {  	_ =	swait.ge [sflag:s23], $0x2800  }
0x3a: {  	[sflag:s23] =	ssyncset.done $0x0  }
0x3b: {  	[sflag:s23] =	ssyncadd.s32 $0xFFFFD800  }
0x3c: {  	[spmem:s2] =	stream.indirect.scatter.add.f32 [tilespmem:s22], [sflag:$0x4], $0x80, s19, s21, $0xb8;
	[tilespmem:$0x16280] =	vst v63  }
0x3d: {  	s31 =	simm.s32 $0x28;
	_ =	swait.ge [sflag:s24], $0x2800  }
0x3e: {  	s29 =	simm.s32 $0x14;
	s28 =	sadd.s32 $0xA0, s12;
	[sflag:s24] =	ssyncset.done $0x0  }
.LBB2_2:
0x3f: {  	s0 =	sadd.s32 s29, s14  }
0x40: {  	[sflag:s24] =	ssyncadd.s32 $0xFFFFD800;
	s1 =	smov.u32 s31;
	s30 =	sadd.s32 $0x14, s31  }
0x41: {  	[tilespmem:s18], [sflag:$0x3] =	stream.linear.gather [hbm4b:s0+s3], $0x50, $0x38;
	[tilespmem:$0x16280] =	vst v63  }
0x42: {  	p1 =	sne.s32 s31, $0x4C4;
	s0 =	sadd.s32 s29, s13;
	s29 =	smov.u32 s1  }
0x43: {  	[tilespmem:s19], [sflag:$0x3] =	stream.linear.gather [hbm4b:s0+s3], $0x50, $0x38;
	[tilespmem:$0x16280] =	vst v63  }
0x44: {  	_ =	swait.ge [sflag:s20], $0x50  }
0x45: {  	[sflag:s20] =	ssyncset.done $0x0  }
0x46: {  	[sflag:s20] =	ssyncadd.s32 $0xFFFFFFB0  }
0x47: {  	_ =	swait.ge [sflag:s20], $0x50  }
0x48: {  	[sflag:s20] =	ssyncset.done $0x0  }
0x49: {  	[sflag:s20] =	ssyncadd.s32 $0xFFFFFFB0  }
0x4a: {  	[tilespmem:s22], [sflag:$0x1] =	stream.indirect.gather [hbm4b:s4+s21], $0x80, s3, s21, $0xb8;
	[tilespmem:$0x16280] =	vst v63  }
0x4b: {  	_ =	swait.ge [sflag:s23], $0x2800  }
0x4c: {  	[sflag:s23] =	ssyncset.done $0x0  }
0x4d: {  	[sflag:s23] =	ssyncadd.s32 $0xFFFFD800  }
0x4e: {  	[spmem:s2] =	stream.indirect.scatter.add.f32 [tilespmem:s22], [sflag:$0x4], $0x80, s17, s21, $0xb8;
	[tilespmem:$0x16280] =	vst v63  }
0x4f: {  	_ =	swait.ge [sflag:s24], $0x2800  }
0x50: {  	s0 =	sshrl.u32 s28, $0x3;
	[sflag:s24] =	ssyncset.done $0x0  }
0x51: {  	s1 =	sadd.s32 s5, s0;
	[sflag:s24] =	ssyncadd.s32 $0xFFFFD800  }
0x52: {  	[tilespmem:s3], [sflag:$0x2] =	stream.linear.gather [hbm4b:s1+s3], $0x50, $0x38;
	[tilespmem:$0x16280] =	vst v63  }
0x53: {  	s0 =	sadd.s32 s6, s0  }
0x54: {  	[tilespmem:s17], [sflag:$0x2] =	stream.linear.gather [hbm4b:s0+s3], $0x50, $0x38;
	[tilespmem:$0x16280] =	vst v63  }
0x55: {  	_ =	swait.ge [sflag:s25], $0x50  }
0x56: {  	[sflag:s25] =	ssyncset.done $0x0  }
0x57: {  	[sflag:s25] =	ssyncadd.s32 $0xFFFFFFB0  }
0x58: {  	_ =	swait.ge [sflag:s25], $0x50  }
0x59: {  	[sflag:s25] =	ssyncset.done $0x0  }
0x5a: {  	[sflag:s25] =	ssyncadd.s32 $0xFFFFFFB0  }
0x5b: {  	[tilespmem:s22], [sflag:$0x1] =	stream.indirect.gather [hbm4b:s4+s21], $0x80, s18, s21, $0xb8;
	[tilespmem:$0x16280] =	vst v63  }
0x5c: {  	_ =	swait.ge [sflag:s23], $0x2800  }
.Ltmp0:
0x5d: {  	[sflag:s23] =	ssyncset.done $0x0;
	(pc) =	sbr.rel @p1 .LBB2_2-.Ltmp0, $4  }
0x5e: {  	[sflag:s23] =	ssyncadd.s32 $0xFFFFD800  }
0x5f: {  	[spmem:s2] =	stream.indirect.scatter.add.f32 [tilespmem:s22], [sflag:$0x4], $0x80, s19, s21, $0xb8;
	[tilespmem:$0x16280] =	vst v63  }
0x60: {  	_ =	swait.ge [sflag:s24], $0x2800  }
0x61: {  	s31 =	smov.u32 s30;
	s28 =	sadd.s32 $0xA0, s28;
	[sflag:s24] =	ssyncset.done $0x0  }
0x62: {  	s0 =	sadd.s32 s29, s14;
	[sflag:s24] =	ssyncadd.s32 $0xFFFFD800  }
0x63: {  	[tilespmem:s18], [sflag:$0x3] =	stream.linear.gather [hbm4b:s0+s3], $0x50, $0x38;
	[tilespmem:$0x16280] =	vst v63  }
0x64: {  	s30 =	sadd.s32 s29, s13  }
0x65: {  	[tilespmem:s19], [sflag:$0x3] =	stream.linear.gather [hbm4b:s30+s3], $0x50, $0x38;
	[tilespmem:$0x16280] =	vst v63  }
0x66: {  	_ =	swait.ge [sflag:s20], $0x50  }
0x67: {  	[sflag:s20] =	ssyncset.done $0x0  }
0x68: {  	[sflag:s20] =	ssyncadd.s32 $0xFFFFFFB0  }
0x69: {  	_ =	swait.ge [sflag:s20], $0x50  }
0x6a: {  	[sflag:s20] =	ssyncset.done $0x0  }
0x6b: {  	[sflag:s20] =	ssyncadd.s32 $0xFFFFFFB0  }
0x6c: {  	[tilespmem:s22], [sflag:$0x1] =	stream.indirect.gather [hbm4b:s4+s21], $0x80, s3, s21, $0xb8;
	[tilespmem:$0x16280] =	vst v63  }
0x6d: {  	_ =	swait.ge [sflag:s23], $0x2800  }
0x6e: {  	[sflag:s23] =	ssyncset.done $0x0  }
0x6f: {  	[sflag:s23] =	ssyncadd.s32 $0xFFFFD800  }
0x70: {  	[spmem:s2] =	stream.indirect.scatter.add.f32 [tilespmem:s22], [sflag:$0x4], $0x80, s17, s21, $0xb8;
	[tilespmem:$0x16280] =	vst v63  }
0x71: {  	_ =	swait.ge [sflag:s24], $0x2800  }
0x72: {  	s31 =	sshrl.u32 s28, $0x3;
	[sflag:s24] =	ssyncset.done $0x0  }
0x73: {  	s1 =	sadd.s32 s5, s31;
	[sflag:s24] =	ssyncadd.s32 $0xFFFFD800  }
0x74: {  	[tilespmem:s3], [sflag:$0x2] =	stream.linear.gather [hbm4b:s1+s3], $0x50, $0x38;
	[tilespmem:$0x16280] =	vst v63  }
0x75: {  	s0 =	sadd.s32 s6, s31  }
0x76: {  	[tilespmem:s17], [sflag:$0x2] =	stream.linear.gather [hbm4b:s0+s3], $0x50, $0x38;
	[tilespmem:$0x16280] =	vst v63  }
0x77: {  	_ =	swait.ge [sflag:s25], $0x50  }
0x78: {  	[sflag:s25] =	ssyncset.done $0x0  }
0x79: {  	[sflag:s25] =	ssyncadd.s32 $0xFFFFFFB0  }
0x7a: {  	_ =	swait.ge [sflag:s25], $0x50  }
0x7b: {  	[sflag:s25] =	ssyncset.done $0x0  }
0x7c: {  	[sflag:s25] =	ssyncadd.s32 $0xFFFFFFB0  }
0x7d: {  	[tilespmem:s22], [sflag:$0x1] =	stream.indirect.gather [hbm4b:s4+s21], $0x80, s18, s21, $0xb8;
	[tilespmem:$0x16280] =	vst v63  }
0x7e: {  	_ =	swait.ge [sflag:s23], $0x2800  }
0x7f: {  	[sflag:s23] =	ssyncset.done $0x0  }
0x80: {  	[sflag:s23] =	ssyncadd.s32 $0xFFFFD800  }
0x81: {  	[spmem:s2] =	stream.indirect.scatter.add.f32 [tilespmem:s22], [sflag:$0x4], $0x80, s19, s21, $0xb8;
	[tilespmem:$0x16280] =	vst v63  }
0x82: {  	_ =	swait.ge [sflag:s24], $0x2800  }
0x83: {  	[sflag:s24] =	ssyncset.done $0x0  }
0x84: {  	[sflag:s24] =	ssyncadd.s32 $0xFFFFD800  }
0x85: {  	_ =	swait.ge [sflag:s20], $0x50  }
0x86: {  	[sflag:s20] =	ssyncset.done $0x0  }
0x87: {  	[sflag:s20] =	ssyncadd.s32 $0xFFFFFFB0  }
0x88: {  	_ =	swait.ge [sflag:s20], $0x50  }
0x89: {  	[sflag:s20] =	ssyncset.done $0x0  }
0x8a: {  	[sflag:s20] =	ssyncadd.s32 $0xFFFFFFB0  }
0x8b: {  	[tilespmem:s22], [sflag:$0x1] =	stream.indirect.gather [hbm4b:s4+s21], $0x80, s3, s21, $0xb8;
	[tilespmem:$0x16280] =	vst v63  }
0x8c: {  	_ =	swait.ge [sflag:s23], $0x2800  }
0x8d: {  	[sflag:s23] =	ssyncset.done $0x0  }
0x8e: {  	[sflag:s23] =	ssyncadd.s32 $0xFFFFD800  }
0x8f: {  	[spmem:s2] =	stream.indirect.scatter.add.f32 [tilespmem:s22], [sflag:$0x4], $0x80, s17, s21, $0xb8;
	[tilespmem:$0x16280] =	vst v63  }
0x90: {  	_ =	swait.ge [sflag:s24], $0x2800  }
0x91: {  	s26 =	sadd.s32 $0x1, s26;
	[sflag:s24] =	ssyncset.done $0x0  }
0x92: {  	p1 =	sne.s32 s26, s11;
	[sflag:s24] =	ssyncadd.s32 $0xFFFFD800  }
.Ltmp1:
0x93: {  	s0 =	simm.s32 @!p0 $0x4;
	[bflag:$0x0] =	sbarrier.arrive $0xFFFF;
	(pc) =	sbr.rel @p1 .LBB2_1-.Ltmp1, $4  }
0x94: {  	[hbm:s10], [sflag:s15] =	dma.local @!p0 [spmem:s16], $0x3E80  }
0x95: {  	_ =	swait.ge @!p0 [sflag:s0], $0x3E80  }
0x96: {  	[sflag:s0] =	ssyncset.done @!p0 $0x0  }
0x97: {  	[sflag:s0] =	ssyncadd.s32 @!p0 $0xFFFFC180  }
0x98: {  	_ =	sfence.sel $0x180000  }
0x99: {  	[bflag:$0x0] =	sbarrier.arrive $0xFFFF  }
0x9a: {  	_ =	strace $0x9000004A  }
0x9b: {  	s0 =	stileid.u32;
	[bflag:$0x2] =	sbarrier.arrive $0xFFFF  }
0x9c: {  	p0 =	sne.s32 s0, $0x0;
	s0 =	rddreg [dreg:$0x2]  }
0x9d: {  	s0 =	sadd.s32 @!p0 $0x100000, s0  }
0x9e: {  	[sflag:s0] =	ssyncadd.tile.s32 @!p0 $0x1;
	_ =	shalt  }
.Lfunc_end2:
_tile_overlayer_lowered:
.L_overlay_start_2:
0x9f: {  	(tag) =	ssettag $0x2  }
0xa0: {  	s0 =	rddreg [dreg:$0x0];
	s2 =	stileid.u32  }
0xa1: {  	s1 =	rddreg [dreg:$0x1];
	p0 =	sne.s32 s2, $0x0  }
0xa2: {  	s3 =	rddreg [dreg:$0x2];
	[bflag:$0x3] =	sbarrier.arrive $0xFFFF;
	s2 =	simm.s32 @!p0 $0x1C04  }
0xa3: {  	[timem:s3], [sflag:s2] =	dma.local @!p0 [hbm:s0], s1  }
0xa4: {  	s0 =	simm.s32 @!p0 $0x4  }
0xa5: {  	_ =	swait.ge @!p0 [sflag:s0], s1  }
0xa6: {  	s1 =	ssub.s32 @!p0 $0x0, s1;
	[sflag:s0] =	ssyncset.done @!p0 $0x0  }
0xa7: {  	[sflag:s0] =	ssyncadd.s32 @!p0 s1  }
0xa8: {  	[bflag:$0x3] =	sbarrier.arrive $0xFFFF  }
0xa9: {  	_ =	shalt  }

// kernel: kernel.14.cloned.1.call-start
scs
__scs_entry_jumppad:
0x0: {  	(pc) =	sbr.rel $0x88, $3  }
0x1: {  	(tag) =	ssettag $0x0;
	lr =	simm.s32 $0x1  }
0x2: {  	[smem:$0x3F98] =	sst lr;
	_ =	strace $0xD0000000  }
0x3: {  	_ = 	snop  }
0x4: {  	_ = 	snop  }
0x5: {  	_ = 	snop  }
0x6: {  	_ = 	snop  }
0x7: {  	_ = 	snop  }
__scs_overlays_trampoline_lowered:
0x8: {  	[smem:$0x3FA7] =	sst s0  }
0x9: {  	[smem:$0x3FA8] =	sst s1  }
0xa: {  	[smem:$0x3FA9] =	sst s2  }
0xb: {  	[smem:$0x3FAA] =	sst s3  }
0xc: {  	[smem:$0x3FAB] =	sst s4  }
0xd: {  	[smem:$0x3FAC] =	sst s5  }
0xe: {  	[smem:$0x3FAD] =	sst s6  }
0xf: {  	[smem:$0x3FAE] =	sst s7  }
0x10: {  	[smem:$0x3FAF] =	sst s8  }
0x11: {  	[smem:$0x3FB0] =	sst s9;
	s0 =	simm.s32 @!p0 $0x0  }
0x12: {  	s1 =	sld [smem:$0x3F96];
	s0 =	simm.s32 @p0 $0x1  }
0x13: {  	[smem:$0x3FB1] =	sst s0;
	s0 =	simm.s32 @!p1 $0x0  }
0x14: {  	s2 =	sld [smem:$0x3F95];
	s0 =	simm.s32 @p1 $0x1  }
0x15: {  	[smem:$0x3FB2] =	sst s0;
	s0 =	simm.s32 @!p2 $0x0  }
0x16: {  	s3 =	sld [smem:$0x3FDB];
	s0 =	simm.s32 @p2 $0x1  }
0x17: {  	s4 =	simm.s32 $0x1BF5;
	[smem:$0x3FB4] =	sst s0  }
0x18: {  	s0 =	sld [smem:$0x3F97];
	_ =	swait.ge [sflag:s4], $0x0  }
0x19: {  	s7 =	sld [smem:$0x3F98]  }
0x1a: {  	s8 =	sadd.s32 $0xFFFFE003, lr  }
0x1b: {  	s9 =	sadd.s32 $0xFFFFFEF7, lr;
	s5 =	simm.s32 $0xFFFFFFFF;
	p2 =	slt.u32 s8, $0xFFFFF086  }
0x1c: {  	p1 =	slt.u32 s9, $0xF7A;
	s5 =	simm.s32 @!p2 $0x0  }
0x1d: {  	s5 =	simm.s32 @p1 $0x1;
	p0 =	seq.s32 s7, s2  }
0x1e: {  	s7 =	smul.u32 @!p0 $0xF7A, s2;
	p2 =	seq.s32 @!p0 s5, $0x0  }
0x1f: {  	s9 =	smul.u32 $0xF7A, s1;
	s8 =	simm.s32 @!p0 $0x1BF5;
	p2 =	por !p2, p0  }
0x20: {  	[sflag:s8] =	ssyncset.s32 @!p0 $0xFFFFF086;
	s6 =	sadd.s32 @!p0 s3, s7;
	s7 =	simm.s32 @!p0 $0x108  }
0x21: {  	s3 =	sadd.s32 s3, s9;
	s6 =	sadd.s32 @!p0 $0x88, s6;
	s7 =	simm.s32 @p2 $0x1082  }
0x22: {  	[simem:s7], [sflag:s8] =	dma.local @!p0 [hbm:s6], $0xF7A  }
0x23: {  	s9 =	sor.u32 $0xD0000000, s2;
	s6 =	simm.s32 $0x108;
	_ =	swait.ge @!p0 [sflag:s8], $0x0  }
0x24: {  	s3 =	sadd.s32 $0x88, s3;
	s6 =	simm.s32 @!p1 $0x1082;
	[sflag:s4] =	ssyncset.s32 $0xFFFFF086  }
0x25: {  	[simem:s6], [sflag:s4] =	dma.local [hbm:s3], $0xF7A  }
0x26: {  	[smem:$0x3F98] =	sst s1;
	(tag) =	ssettag s2;
	_ =	strace s9  }
0x27: {  	s1 =	sld [smem:$0x3FA8]  }
0x28: {  	s2 =	sld [smem:$0x3FA9]  }
0x29: {  	s4 =	sld [smem:$0x3FAB]  }
0x2a: {  	p0 =	seq.s32 s5, $0x0;
	s5 =	sld [smem:$0x3FAC]  }
0x2b: {  	s6 =	sld [smem:$0x3FAD]  }
0x2c: {  	s7 =	sld [smem:$0x3FAE]  }
0x2d: {  	s3 =	simm.s32 $0x108;
	s8 =	sld [smem:$0x3FAF]  }
0x2e: {  	s3 =	simm.s32 @!p0 $0x1082;
	s9 =	sld [smem:$0x3FB0]  }
0x2f: {  	lr =	sadd.s32 s0, s3;
	s0 =	sld [smem:$0x3FA7]  }
0x30: {  	s3 =	sld [smem:$0x3FAA]  }
0x31: {  	[smem:$0x3FB3] =	sst s10  }
0x32: {  	s10 =	sld [smem:$0x3FB1];
	_ =	sdelay $0x3  }
0x33: {  	p0 =	seq.s32 s10, $0x1;
	s10 =	sld [smem:$0x3FB3];
	_ =	sdelay $0x3  }
0x34: {  	[smem:$0x3FB3] =	sst s10  }
0x35: {  	s10 =	sld [smem:$0x3FB2];
	_ =	sdelay $0x3  }
0x36: {  	p1 =	seq.s32 s10, $0x1;
	s10 =	sld [smem:$0x3FB3];
	_ =	sdelay $0x3  }
0x37: {  	[smem:$0x3FB3] =	sst s10  }
0x38: {  	s10 =	sld [smem:$0x3FB4]  }
0x39: {  	_ = 	snop;
	(pc) =	sbr.ind lr, $3  }
0x3a: {  	_ = 	snop  }
0x3b: {  	_ = 	snop  }
0x3c: {  	p2 =	seq.s32 s10, $0x1;
	s10 =	sld [smem:$0x3FB3]  }
0x3d: {  	_ =	shalt  }
0x3e: {  	_ =	shalt  }
0x3f: {  	_ =	shalt  }
0x40: {  	_ =	shalt  }
0x41: {  	_ =	shalt  }
0x42: {  	_ =	shalt  }
0x43: {  	_ =	shalt  }
0x44: {  	_ =	shalt  }
0x45: {  	_ =	shalt  }
0x46: {  	_ =	shalt  }
0x47: {  	_ =	shalt  }
0x48: {  	_ =	shalt  }
0x49: {  	_ =	shalt  }
0x4a: {  	_ =	shalt  }
0x4b: {  	_ =	shalt  }
0x4c: {  	_ =	shalt  }
0x4d: {  	_ =	shalt  }
0x4e: {  	_ =	shalt  }
0x4f: {  	_ =	shalt  }
0x50: {  	_ =	shalt  }
0x51: {  	_ =	shalt  }
0x52: {  	_ =	shalt  }
0x53: {  	_ =	shalt  }
0x54: {  	_ =	shalt  }
0x55: {  	_ =	shalt  }
0x56: {  	_ =	shalt  }
0x57: {  	_ =	shalt  }
0x58: {  	_ =	shalt  }
0x59: {  	_ =	shalt  }
0x5a: {  	_ =	shalt  }
0x5b: {  	_ =	shalt  }
0x5c: {  	_ =	shalt  }
0x5d: {  	_ =	shalt  }
0x5e: {  	_ =	shalt  }
0x5f: {  	_ =	shalt  }
0x60: {  	_ =	shalt  }
0x61: {  	_ =	shalt  }
0x62: {  	_ =	shalt  }
0x63: {  	_ =	shalt  }
0x64: {  	_ =	shalt  }
0x65: {  	_ =	shalt  }
0x66: {  	_ =	shalt  }
0x67: {  	_ =	shalt  }
0x68: {  	_ =	shalt  }
0x69: {  	_ =	shalt  }
0x6a: {  	_ =	shalt  }
0x6b: {  	_ =	shalt  }
0x6c: {  	_ =	shalt  }
0x6d: {  	_ =	shalt  }
0x6e: {  	_ =	shalt  }
0x6f: {  	_ =	shalt  }
0x70: {  	_ =	shalt  }
0x71: {  	_ =	shalt  }
0x72: {  	_ =	shalt  }
0x73: {  	_ =	shalt  }
0x74: {  	_ =	shalt  }
0x75: {  	_ =	shalt  }
0x76: {  	_ =	shalt  }
0x77: {  	_ =	shalt  }
0x78: {  	_ =	shalt  }
0x79: {  	_ =	shalt  }
0x7a: {  	_ =	shalt  }
0x7b: {  	_ =	shalt  }
0x7c: {  	_ =	shalt  }
0x7d: {  	_ =	shalt  }
0x7e: {  	_ =	shalt  }
0x7f: {  	_ =	shalt  }
0x80: {  	_ =	shalt  }
0x81: {  	_ =	shalt  }
0x82: {  	_ =	shalt  }
0x83: {  	_ =	shalt  }
0x84: {  	_ =	shalt  }
0x85: {  	_ =	shalt  }
0x86: {  	_ =	shalt  }
0x87: {  	_ =	shalt  }
.Lfunc_end0:
.L_simem_size_0:
called_computation.2_lowered:
.L_overlay_start_0:
0x88: {  	s2 =	sld [smem:$0x3FD9]  }
0x89: {  	s3 =	sld [smem:$0x3FFE];
	_ =	sdelay $0x1  }
0x8a: {  	s1 =	srdreg.scid  }
0x8b: {  	s0 =	sand.u32 $0x1, s1  }
0x8c: {  	s16 =	sshll.u32 s0, $0xA;
	s2 =	sadd.s32 s3, s2  }
0x8d: {  	s2 =	sadd.s32 s2, s16  }
0x8e: {  	[smem:$0x3FBF] =	sst s2  }
0x8f: {  	_ = 	snop  }
0x90: {  	(tm) =	ssettm $0x1  }
0x91: {  	s17 =	sld [smem:$0x3FFB];
	_ =	sdelay $0x3  }
0x92: {  	_ =	strace s17  }
0x93: {  	s2 =	sld [smem:$0x3FFC];
	_ =	sdelay $0x3  }
0x94: {  	_ =	strace s2  }
0x95: {  	s2 =	sld [smem:$0x3FFD];
	_ =	sdelay $0x3  }
0x96: {  	_ =	strace s2  }
0x97: {  	_ =	strace $0x8FFFFFFF  }
0x98: {  	s18 =	sld [smem:$0x3FDB];
	_ =	sdelay $0x1  }
0x99: {  	s19 =	simm.s32 $_scs_section_size  }
0x9a: {  	s4 =	simm.s32 $_size__tile_overlayer_lowered;
	s5 =	simm.s32 $_tile_overlayer_lowered  }
0x9b: {  	s22 =	simm.s32 $0x1BFF;
	s21 =	sshll.u32 s5, $0x1;
	s2 =	sadd.s32 s19, s18  }
0x9c: {  	s6 =	simm.s32 $0x0;
	s20 =	sshll.u32 s4, $0x1;
	s4 =	sadd.s32 s21, s2  }
0x9d: {  	[timem:s6], [sflag:s22] =	dma.local [hbm:s4], s20  }
0x9e: {  	_ =	swait.ge [sflag:s22], s20  }
0x9f: {  	s3 =	ssub.s32 $0x0, s20;
	[sflag:s22] =	ssyncset.done $0x0  }
0xa0: {  	[sflag:s22] =	ssyncadd.s32 s3;
	_ =	sdelay $0x1  }
0xa1: {  	s23 =	simm.s32 $0x1B8B  }
0xa2: {  	_ =	swait.ge [sflag:s23], $0x1  }
0xa3: {  	[sflag:s23] =	ssyncset.done $0x0  }
0xa4: {  	s25 =	simm.s32 $0x1B8E;
	s24 =	sld [smem:$0x3FFE];
	[sflag:s23] =	ssyncadd.s32 $0xFFFFFFFF  }
0xa5: {  	s26 =	simm.s32 $execute0_lowered;
	[smem:$0x3FD2] =	sst s25  }
0xa6: {  	s4 =	sshll.u32 s26, $0x1;
	_ =	strace $0x8000004C;
	[dreg:$0x1] =	wrdreg $0xFFFFFFFF  }
0xa7: {  	s28 =	simm.s32 $_size_execute0_lowered;
	s2 =	sadd.s32 s2, s4;
	[dreg:$0x0] =	wrdreg $0x0  }
0xa8: {  	s4 =	sshll.u32 s28, $0x1;
	[dreg:$0x2] =	wrdreg s2  }
0xa9: {  	[dreg:$0x3] =	wrdreg s4  }
0xaa: {  	[dreg:$0x4] =	wrdreg $0xC0  }
0xab: {  	_ =	task [dreg:s6], $0x5FFFF  }
0xac: {  	[dreg:$0x1] =	wrdreg $0xFFFFFFFF  }
0xad: {  	[dreg:$0x0] =	wrdreg $0x60  }
0xae: {  	[dreg:$0x2] =	wrdreg s24  }
0xaf: {  	[dreg:$0x3] =	wrdreg $0x2A000  }
0xb0: {  	[dreg:$0x4] =	wrdreg $0x9  }
0xb1: {  	_ =	task.clear_ibuf [dreg:s6], $0x5FFFF;
	_ =	strace $0x9000004C  }
0xb2: {  	s29 =	simm.s32 $0x9;
	_ =	strace $0x8000004E  }
0xb3: {  	_ =	swait.ge [sflag:s29], $0x1  }
0xb4: {  	[sflag:s29] =	ssyncadd.s32 $0xFFFFFFFF  }
0xb5: {  	_ =	strace $0x9000004E  }
0xb6: {  	_ =	sfence  }
0xb7: {  	s30 =	sld [smem:$0x0];
	_ =	sdelay $0x2  }
0xb8: {  	s31 =	sshll.u32 s1, $0xD;
	s1 =	sshrl.u32 s1, $0x2  }
0xb9: {  	s3 =	sand.u32 $0x4000, s31;
	s1 =	sadd.s32 s1, s30  }
0xba: {  	s0 =	sor.u32 s3, s0;
	s1 =	sshll.u32 s1, $0x11  }
0xbb: {  	s0 =	sor.u32 s1, s0  }
0xbc: {  	s0 =	sadd.s32 $0x8F2B, s0  }
0xbd: {  	[sflag:s0] =	ssyncadd.remote.s32 $0x1  }
0xbe: {  	_ =	sfence.sel $0xFFFF  }
0xbf: {  	[dreg:$0x0] =	wrdreg $0xFFFFFFFF;
	(pc) =	sbr.abs _section_cstart, $3  }
0xc0: {  	[dreg:$0x1] =	wrdreg $0xFFFFFFFF  }
0xc1: {  	_ =	task.clear_ibuf [dreg:s6], $0x2FFFF;
	_ =	strace $0x9FFFFFFF  }
0xc2: {  	(tm) =	ssettm $0x7FFFFFFF  }
0xc3: {  	_ =	shalt  }
tec
execute0_lowered:
.L_overlay_start_1:
0x0: {  	(tag) =	ssettag $0x1  }
0x1: {  	s7 =	rddreg [dreg:$0x0]  }
0x2: {  	s2 =	rddreg [dreg:$0x1];
	s3 =	simm.s32 $0x0;
	s0 =	stileid.u32  }
0x3: {  	s4 =	srdreg.scid;
	s17 =	simm.s32 $0x80;
	s18 =	simm.s32 $0x100  }
0x4: {  	s19 =	simm.s32 $0x180;
	s20 =	simm.s32 $0x2;
	s21 =	simm.s32 $0x50  }
0x5: {  	s22 =	simm.s32 $0x200;
	[smem:$0x7FF] =	sst s3;
	s8 =	smul.u32 $0x3E80, s0  }
0x6: {  	s9 =	sand.u32 $0x1, s4;
	s4 =	sadd.s32 $0x4D000, s7;
	s11 =	smul.u32 $0x1F400, s0  }
0x7: {  	s5 =	sadd.s32 $0x4200, s7;
	s6 =	sadd.s32 $0xE000, s7;
	s24 =	smul.u32 $0x7D000, s0  }
0x8: {  	s12 =	sshll.u32 s0, $0x1;
	s14 =	smul.u32 $0x4E20, s0;
	p0 =	sgt.u32 s0, $0x9  }
0x9: {  	_ =	strace $0x8000004D;
	s10 =	smul.u32 $0x138800, s9;
	s23 =	sor.u32 s9, s12  }
0xa: {  	s13 =	ssub.s32 $0x2, s9;
	s28 =	smul.u32 $0x2710, s9;
	s15 =	sshll.u32 @!p0 s0, $0x6  }
0xb: {  	s8 =	sadd.s32 s8, s7;
	s25 =	sshrl.u32 s13, $0x1;
	s26 =	sshrl.u32 s24, $0x2  }
0xc: {  	s15 =	sor.u32 @!p0 $0x1C04, s15;
	s24 =	simm.s32 $0x4;
	s10 =	sadd.s32 s11, s10  }
0xd: {  	s11 =	smul.u32 $0x2710, s23;
	s13 =	ssub.s32 s13, s25;
	s16 =	sadd.s32 s26, s2  }
0xe: {  	s12 =	sadd.s32 s28, s14;
	s23 =	simm.s32 $0x1;
	s25 =	simm.s32 $0x3  }
0xf: {  	s26 =	simm.s32 $0x0;
	s10 =	sshrl.u32 s10, $0x3;
	s30 =	sadd.s32 $0x50, s12  }
0x10: {  	s12 =	sadd.s32 $0xA0, s12;
	s16 =	sshrl.u32 @!p0 s16, $0x3;
	s10 =	sadd.s32 s10, s7  }
0x11: {  	s7 =	sadd.s32 $0x21E00, s8;
	s29 =	sshrl.u32 s11, $0x3;
	s11 =	smax.u32 s13, $0x1  }
0x12: {  	s31 =	sshrl.u32 s30, $0x3;
	s8 =	sadd.s32 s5, s29;
	s9 =	sadd.s32 s6, s29  }
0x13: {  	s10 =	sadd.s32 $0x9B400, s10;
	s13 =	sadd.s32 s31, s6;
	s14 =	sadd.s32 s31, s5  }
.LBB2_1:
0x14: {  	[spmem:s16], [sflag:s15] =	dma.local @!p0 [hbm:s7], $0x3E80  }
0x15: {  	s28 =	simm.s32 @!p0 $0x4  }
0x16: {  	_ =	swait.ge @!p0 [sflag:s28], $0x3E80  }
0x17: {  	[sflag:s28] =	ssyncset.done @!p0 $0x0  }
0x18: {  	[sflag:s28] =	ssyncadd.s32 @!p0 $0xFFFFC180  }
0x19: {  	[bflag:$0x0] =	sbarrier.arrive $0xFFFF  }
0x1a: {  	[tilespmem:s3], [sflag:$0x2] =	stream.linear.gather [hbm4b:s8+s3], $0x50, $0x38;
	[tilespmem:$0x16280] =	vst v63  }
0x1b: {  	_ = 	snop  }
0x1c: {  	[tilespmem:s17], [sflag:$0x2] =	stream.linear.gather [hbm4b:s9+s3], $0x50, $0x38;
	[tilespmem:$0x16280] =	vst v63  }
0x1d: {  	s28 =	sadd.s32 $0x0, s14  }
0x1e: {  	[tilespmem:s18], [sflag:$0x3] =	stream.linear.gather [hbm4b:s28+s3], $0x50, $0x38;
	[tilespmem:$0x16280] =	vst v63  }
0x1f: {  	s28 =	sadd.s32 $0x0, s13  }
0x20: {  	[tilespmem:s19], [sflag:$0x3] =	stream.linear.gather [hbm4b:s28+s3], $0x50, $0x38;
	[tilespmem:$0x16280] =	vst v63  }
0x21: {  	_ =	swait.ge [sflag:s20], $0x50  }
0x22: {  	[sflag:s20] =	ssyncset.done $0x0  }
0x23: {  	[sflag:s20] =	ssyncadd.s32 $0xFFFFFFB0  }
0x24: {  	_ =	swait.ge [sflag:s20], $0x50  }
0x25: {  	[sflag:s20] =	ssyncset.done $0x0  }
0x26: {  	[sflag:s20] =	ssyncadd.s32 $0xFFFFFFB0  }
0x27: {  	[tilespmem:s22], [sflag:$0x1] =	stream.indirect.gather [hbm4b:s4+s21], $0x80, s3, s21, $0xb8;
	[tilespmem:$0x16280] =	vst v63  }
0x28: {  	_ =	swait.ge [sflag:s23], $0x2800  }
0x29: {  	[sflag:s23] =	ssyncset.done $0x0  }
0x2a: {  	[sflag:s23] =	ssyncadd.s32 $0xFFFFD800  }
0x2b: {  	[spmem:s2] =	stream.indirect.scatter.add.f32 [tilespmem:s22], [sflag:$0x4], $0x80, s17, s21, $0xb8;
	[tilespmem:$0x16280] =	vst v63  }
0x2c: {  	_ =	swait.ge [sflag:s24], $0x2800  }
0x2d: {  	s28 =	sshrl.u32 s12, $0x3;
	[sflag:s24] =	ssyncset.done $0x0  }
0x2e: {  	s29 =	sadd.s32 s5, s28;
	[sflag:s24] =	ssyncadd.s32 $0xFFFFD800  }
0x2f: {  	[tilespmem:s3], [sflag:$0x2] =	stream.linear.gather [hbm4b:s29+s3], $0x50, $0x38;
	[tilespmem:$0x16280] =	vst v63  }
0x30: {  	s28 =	sadd.s32 s6, s28  }
0x31: {  	[tilespmem:s17], [sflag:$0x2] =	stream.linear.gather [hbm4b:s28+s3], $0x50, $0x38;
	[tilespmem:$0x16280] =	vst v63  }
0x32: {  	_ =	swait.ge [sflag:s25], $0x50  }
0x33: {  	[sflag:s25] =	ssyncset.done $0x0  }
0x34: {  	[sflag:s25] =	ssyncadd.s32 $0xFFFFFFB0  }
0x35: {  	_ =	swait.ge [sflag:s25], $0x50  }
0x36: {  	[sflag:s25] =	ssyncset.done $0x0  }
0x37: {  	[sflag:s25] =	ssyncadd.s32 $0xFFFFFFB0  }
0x38: {  	[tilespmem:s22], [sflag:$0x1] =	stream.indirect.gather [hbm4b:s4+s21], $0x80, s18, s21, $0xb8;
	[tilespmem:$0x16280] =	vst v63  }
0x39: {  	_ =	swait.ge [sflag:s23], $0x2800  }
0x3a: {  	[sflag:s23] =	ssyncset.done $0x0  }
0x3b: {  	[sflag:s23] =	ssyncadd.s32 $0xFFFFD800  }
0x3c: {  	[spmem:s2] =	stream.indirect.scatter.add.f32 [tilespmem:s22], [sflag:$0x4], $0x80, s19, s21, $0xb8;
	[tilespmem:$0x16280] =	vst v63  }
0x3d: {  	s31 =	simm.s32 $0x28;
	_ =	swait.ge [sflag:s24], $0x2800  }
0x3e: {  	s29 =	simm.s32 $0x14;
	s28 =	sadd.s32 $0xA0, s12;
	[sflag:s24] =	ssyncset.done $0x0  }
.LBB2_2:
0x3f: {  	s0 =	sadd.s32 s29, s14  }
0x40: {  	[sflag:s24] =	ssyncadd.s32 $0xFFFFD800;
	s1 =	smov.u32 s31;
	s30 =	sadd.s32 $0x14, s31  }
0x41: {  	[tilespmem:s18], [sflag:$0x3] =	stream.linear.gather [hbm4b:s0+s3], $0x50, $0x38;
	[tilespmem:$0x16280] =	vst v63  }
0x42: {  	p1 =	sne.s32 s31, $0x4C4;
	s0 =	sadd.s32 s29, s13;
	s29 =	smov.u32 s1  }
0x43: {  	[tilespmem:s19], [sflag:$0x3] =	stream.linear.gather [hbm4b:s0+s3], $0x50, $0x38;
	[tilespmem:$0x16280] =	vst v63  }
0x44: {  	_ =	swait.ge [sflag:s20], $0x50  }
0x45: {  	[sflag:s20] =	ssyncset.done $0x0  }
0x46: {  	[sflag:s20] =	ssyncadd.s32 $0xFFFFFFB0  }
0x47: {  	_ =	swait.ge [sflag:s20], $0x50  }
0x48: {  	[sflag:s20] =	ssyncset.done $0x0  }
0x49: {  	[sflag:s20] =	ssyncadd.s32 $0xFFFFFFB0  }
0x4a: {  	[tilespmem:s22], [sflag:$0x1] =	stream.indirect.gather [hbm4b:s4+s21], $0x80, s3, s21, $0xb8;
	[tilespmem:$0x16280] =	vst v63  }
0x4b: {  	_ =	swait.ge [sflag:s23], $0x2800  }
0x4c: {  	[sflag:s23] =	ssyncset.done $0x0  }
0x4d: {  	[sflag:s23] =	ssyncadd.s32 $0xFFFFD800  }
0x4e: {  	[spmem:s2] =	stream.indirect.scatter.add.f32 [tilespmem:s22], [sflag:$0x4], $0x80, s17, s21, $0xb8;
	[tilespmem:$0x16280] =	vst v63  }
0x4f: {  	_ =	swait.ge [sflag:s24], $0x2800  }
0x50: {  	s0 =	sshrl.u32 s28, $0x3;
	[sflag:s24] =	ssyncset.done $0x0  }
0x51: {  	s1 =	sadd.s32 s5, s0;
	[sflag:s24] =	ssyncadd.s32 $0xFFFFD800  }
0x52: {  	[tilespmem:s3], [sflag:$0x2] =	stream.linear.gather [hbm4b:s1+s3], $0x50, $0x38;
	[tilespmem:$0x16280] =	vst v63  }
0x53: {  	s0 =	sadd.s32 s6, s0  }
0x54: {  	[tilespmem:s17], [sflag:$0x2] =	stream.linear.gather [hbm4b:s0+s3], $0x50, $0x38;
	[tilespmem:$0x16280] =	vst v63  }
0x55: {  	_ =	swait.ge [sflag:s25], $0x50  }
0x56: {  	[sflag:s25] =	ssyncset.done $0x0  }
0x57: {  	[sflag:s25] =	ssyncadd.s32 $0xFFFFFFB0  }
0x58: {  	_ =	swait.ge [sflag:s25], $0x50  }
0x59: {  	[sflag:s25] =	ssyncset.done $0x0  }
0x5a: {  	[sflag:s25] =	ssyncadd.s32 $0xFFFFFFB0  }
0x5b: {  	[tilespmem:s22], [sflag:$0x1] =	stream.indirect.gather [hbm4b:s4+s21], $0x80, s18, s21, $0xb8;
	[tilespmem:$0x16280] =	vst v63  }
0x5c: {  	_ =	swait.ge [sflag:s23], $0x2800  }
.Ltmp0:
0x5d: {  	[sflag:s23] =	ssyncset.done $0x0;
	(pc) =	sbr.rel @p1 .LBB2_2-.Ltmp0, $4  }
0x5e: {  	[sflag:s23] =	ssyncadd.s32 $0xFFFFD800  }
0x5f: {  	[spmem:s2] =	stream.indirect.scatter.add.f32 [tilespmem:s22], [sflag:$0x4], $0x80, s19, s21, $0xb8;
	[tilespmem:$0x16280] =	vst v63  }
0x60: {  	_ =	swait.ge [sflag:s24], $0x2800  }
0x61: {  	s31 =	smov.u32 s30;
	s28 =	sadd.s32 $0xA0, s28;
	[sflag:s24] =	ssyncset.done $0x0  }
0x62: {  	s0 =	sadd.s32 s29, s14;
	[sflag:s24] =	ssyncadd.s32 $0xFFFFD800  }
0x63: {  	[tilespmem:s18], [sflag:$0x3] =	stream.linear.gather [hbm4b:s0+s3], $0x50, $0x38;
	[tilespmem:$0x16280] =	vst v63  }
0x64: {  	s30 =	sadd.s32 s29, s13  }
0x65: {  	[tilespmem:s19], [sflag:$0x3] =	stream.linear.gather [hbm4b:s30+s3], $0x50, $0x38;
	[tilespmem:$0x16280] =	vst v63  }
0x66: {  	_ =	swait.ge [sflag:s20], $0x50  }
0x67: {  	[sflag:s20] =	ssyncset.done $0x0  }
0x68: {  	[sflag:s20] =	ssyncadd.s32 $0xFFFFFFB0  }
0x69: {  	_ =	swait.ge [sflag:s20], $0x50  }
0x6a: {  	[sflag:s20] =	ssyncset.done $0x0  }
0x6b: {  	[sflag:s20] =	ssyncadd.s32 $0xFFFFFFB0  }
0x6c: {  	[tilespmem:s22], [sflag:$0x1] =	stream.indirect.gather [hbm4b:s4+s21], $0x80, s3, s21, $0xb8;
	[tilespmem:$0x16280] =	vst v63  }
0x6d: {  	_ =	swait.ge [sflag:s23], $0x2800  }
0x6e: {  	[sflag:s23] =	ssyncset.done $0x0  }
0x6f: {  	[sflag:s23] =	ssyncadd.s32 $0xFFFFD800  }
0x70: {  	[spmem:s2] =	stream.indirect.scatter.add.f32 [tilespmem:s22], [sflag:$0x4], $0x80, s17, s21, $0xb8;
	[tilespmem:$0x16280] =	vst v63  }
0x71: {  	_ =	swait.ge [sflag:s24], $0x2800  }
0x72: {  	s31 =	sshrl.u32 s28, $0x3;
	[sflag:s24] =	ssyncset.done $0x0  }
0x73: {  	s1 =	sadd.s32 s5, s31;
	[sflag:s24] =	ssyncadd.s32 $0xFFFFD800  }
0x74: {  	[tilespmem:s3], [sflag:$0x2] =	stream.linear.gather [hbm4b:s1+s3], $0x50, $0x38;
	[tilespmem:$0x16280] =	vst v63  }
0x75: {  	s0 =	sadd.s32 s6, s31  }
0x76: {  	[tilespmem:s17], [sflag:$0x2] =	stream.linear.gather [hbm4b:s0+s3], $0x50, $0x38;
	[tilespmem:$0x16280] =	vst v63  }
0x77: {  	_ =	swait.ge [sflag:s25], $0x50  }
0x78: {  	[sflag:s25] =	ssyncset.done $0x0  }
0x79: {  	[sflag:s25] =	ssyncadd.s32 $0xFFFFFFB0  }
0x7a: {  	_ =	swait.ge [sflag:s25], $0x50  }
0x7b: {  	[sflag:s25] =	ssyncset.done $0x0  }
0x7c: {  	[sflag:s25] =	ssyncadd.s32 $0xFFFFFFB0  }
0x7d: {  	[tilespmem:s22], [sflag:$0x1] =	stream.indirect.gather [hbm4b:s4+s21], $0x80, s18, s21, $0xb8;
	[tilespmem:$0x16280] =	vst v63  }
0x7e: {  	_ =	swait.ge [sflag:s23], $0x2800  }
0x7f: {  	[sflag:s23] =	ssyncset.done $0x0  }
0x80: {  	[sflag:s23] =	ssyncadd.s32 $0xFFFFD800  }
0x81: {  	[spmem:s2] =	stream.indirect.scatter.add.f32 [tilespmem:s22], [sflag:$0x4], $0x80, s19, s21, $0xb8;
	[tilespmem:$0x16280] =	vst v63  }
0x82: {  	_ =	swait.ge [sflag:s24], $0x2800  }
0x83: {  	[sflag:s24] =	ssyncset.done $0x0  }
0x84: {  	[sflag:s24] =	ssyncadd.s32 $0xFFFFD800  }
0x85: {  	_ =	swait.ge [sflag:s20], $0x50  }
0x86: {  	[sflag:s20] =	ssyncset.done $0x0  }
0x87: {  	[sflag:s20] =	ssyncadd.s32 $0xFFFFFFB0  }
0x88: {  	_ =	swait.ge [sflag:s20], $0x50  }
0x89: {  	[sflag:s20] =	ssyncset.done $0x0  }
0x8a: {  	[sflag:s20] =	ssyncadd.s32 $0xFFFFFFB0  }
0x8b: {  	[tilespmem:s22], [sflag:$0x1] =	stream.indirect.gather [hbm4b:s4+s21], $0x80, s3, s21, $0xb8;
	[tilespmem:$0x16280] =	vst v63  }
0x8c: {  	_ =	swait.ge [sflag:s23], $0x2800  }
0x8d: {  	[sflag:s23] =	ssyncset.done $0x0  }
0x8e: {  	[sflag:s23] =	ssyncadd.s32 $0xFFFFD800  }
0x8f: {  	[spmem:s2] =	stream.indirect.scatter.add.f32 [tilespmem:s22], [sflag:$0x4], $0x80, s17, s21, $0xb8;
	[tilespmem:$0x16280] =	vst v63  }
0x90: {  	_ =	swait.ge [sflag:s24], $0x2800  }
0x91: {  	s26 =	sadd.s32 $0x1, s26;
	[sflag:s24] =	ssyncset.done $0x0  }
0x92: {  	p1 =	sne.s32 s26, s11;
	[sflag:s24] =	ssyncadd.s32 $0xFFFFD800  }
.Ltmp1:
0x93: {  	s0 =	simm.s32 @!p0 $0x4;
	[bflag:$0x0] =	sbarrier.arrive $0xFFFF;
	(pc) =	sbr.rel @p1 .LBB2_1-.Ltmp1, $4  }
0x94: {  	[hbm:s10], [sflag:s15] =	dma.local @!p0 [spmem:s16], $0x3E80  }
0x95: {  	_ =	swait.ge @!p0 [sflag:s0], $0x3E80  }
0x96: {  	[sflag:s0] =	ssyncset.done @!p0 $0x0  }
0x97: {  	[sflag:s0] =	ssyncadd.s32 @!p0 $0xFFFFC180  }
0x98: {  	_ =	sfence.sel $0x180000  }
0x99: {  	[bflag:$0x0] =	sbarrier.arrive $0xFFFF  }
0x9a: {  	_ =	strace $0x9000004D  }
0x9b: {  	s0 =	stileid.u32;
	[bflag:$0x2] =	sbarrier.arrive $0xFFFF  }
0x9c: {  	p0 =	sne.s32 s0, $0x0;
	s0 =	rddreg [dreg:$0x2]  }
0x9d: {  	s0 =	sadd.s32 @!p0 $0x100000, s0  }
0x9e: {  	[sflag:s0] =	ssyncadd.tile.s32 @!p0 $0x1;
	_ =	shalt  }
.Lfunc_end2:
_tile_overlayer_lowered:
.L_overlay_start_2:
0x9f: {  	(tag) =	ssettag $0x2  }
0xa0: {  	s0 =	rddreg [dreg:$0x0];
	s2 =	stileid.u32  }
0xa1: {  	s1 =	rddreg [dreg:$0x1];
	p0 =	sne.s32 s2, $0x0  }
0xa2: {  	s3 =	rddreg [dreg:$0x2];
	[bflag:$0x3] =	sbarrier.arrive $0xFFFF;
	s2 =	simm.s32 @!p0 $0x1C04  }
0xa3: {  	[timem:s3], [sflag:s2] =	dma.local @!p0 [hbm:s0], s1  }
0xa4: {  	s0 =	simm.s32 @!p0 $0x4  }
0xa5: {  	_ =	swait.ge @!p0 [sflag:s0], s1  }
0xa6: {  	s1 =	ssub.s32 @!p0 $0x0, s1;
	[sflag:s0] =	ssyncset.done @!p0 $0x0  }
0xa7: {  	[sflag:s0] =	ssyncadd.s32 @!p0 s1  }
0xa8: {  	[bflag:$0x3] =	sbarrier.arrive $0xFFFF  }
0xa9: {  	_ =	shalt  }

// kernel: kernel.8.cloned.1.call-start
scs
__scs_entry_jumppad:
0x0: {  	(pc) =	sbr.rel $0x88, $3  }
0x1: {  	(tag) =	ssettag $0x0;
	lr =	simm.s32 $0x1  }
0x2: {  	[smem:$0x3F98] =	sst lr;
	_ =	strace $0xD0000000  }
0x3: {  	_ = 	snop  }
0x4: {  	_ = 	snop  }
0x5: {  	_ = 	snop  }
0x6: {  	_ = 	snop  }
0x7: {  	_ = 	snop  }
__scs_overlays_trampoline_lowered:
0x8: {  	[smem:$0x3FA7] =	sst s0  }
0x9: {  	[smem:$0x3FA8] =	sst s1  }
0xa: {  	[smem:$0x3FA9] =	sst s2  }
0xb: {  	[smem:$0x3FAA] =	sst s3  }
0xc: {  	[smem:$0x3FAB] =	sst s4  }
0xd: {  	[smem:$0x3FAC] =	sst s5  }
0xe: {  	[smem:$0x3FAD] =	sst s6  }
0xf: {  	[smem:$0x3FAE] =	sst s7  }
0x10: {  	[smem:$0x3FAF] =	sst s8  }
0x11: {  	[smem:$0x3FB0] =	sst s9;
	s0 =	simm.s32 @!p0 $0x0  }
0x12: {  	s1 =	sld [smem:$0x3F96];
	s0 =	simm.s32 @p0 $0x1  }
0x13: {  	[smem:$0x3FB1] =	sst s0;
	s0 =	simm.s32 @!p1 $0x0  }
0x14: {  	s2 =	sld [smem:$0x3F95];
	s0 =	simm.s32 @p1 $0x1  }
0x15: {  	[smem:$0x3FB2] =	sst s0;
	s0 =	simm.s32 @!p2 $0x0  }
0x16: {  	s3 =	sld [smem:$0x3FDB];
	s0 =	simm.s32 @p2 $0x1  }
0x17: {  	s4 =	simm.s32 $0x1BF5;
	[smem:$0x3FB4] =	sst s0  }
0x18: {  	s0 =	sld [smem:$0x3F97];
	_ =	swait.ge [sflag:s4], $0x0  }
0x19: {  	s7 =	sld [smem:$0x3F98]  }
0x1a: {  	s8 =	sadd.s32 $0xFFFFE003, lr  }
0x1b: {  	s9 =	sadd.s32 $0xFFFFFEF7, lr;
	s5 =	simm.s32 $0xFFFFFFFF;
	p2 =	slt.u32 s8, $0xFFFFF086  }
0x1c: {  	p1 =	slt.u32 s9, $0xF7A;
	s5 =	simm.s32 @!p2 $0x0  }
0x1d: {  	s5 =	simm.s32 @p1 $0x1;
	p0 =	seq.s32 s7, s2  }
0x1e: {  	s7 =	smul.u32 @!p0 $0xF7A, s2;
	p2 =	seq.s32 @!p0 s5, $0x0  }
0x1f: {  	s9 =	smul.u32 $0xF7A, s1;
	s8 =	simm.s32 @!p0 $0x1BF5;
	p2 =	por !p2, p0  }
0x20: {  	[sflag:s8] =	ssyncset.s32 @!p0 $0xFFFFF086;
	s6 =	sadd.s32 @!p0 s3, s7;
	s7 =	simm.s32 @!p0 $0x108  }
0x21: {  	s3 =	sadd.s32 s3, s9;
	s6 =	sadd.s32 @!p0 $0x88, s6;
	s7 =	simm.s32 @p2 $0x1082  }
0x22: {  	[simem:s7], [sflag:s8] =	dma.local @!p0 [hbm:s6], $0xF7A  }
0x23: {  	s9 =	sor.u32 $0xD0000000, s2;
	s6 =	simm.s32 $0x108;
	_ =	swait.ge @!p0 [sflag:s8], $0x0  }
0x24: {  	s3 =	sadd.s32 $0x88, s3;
	s6 =	simm.s32 @!p1 $0x1082;
	[sflag:s4] =	ssyncset.s32 $0xFFFFF086  }
0x25: {  	[simem:s6], [sflag:s4] =	dma.local [hbm:s3], $0xF7A  }
0x26: {  	[smem:$0x3F98] =	sst s1;
	(tag) =	ssettag s2;
	_ =	strace s9  }
0x27: {  	s1 =	sld [smem:$0x3FA8]  }
0x28: {  	s2 =	sld [smem:$0x3FA9]  }
0x29: {  	s4 =	sld [smem:$0x3FAB]  }
0x2a: {  	p0 =	seq.s32 s5, $0x0;
	s5 =	sld [smem:$0x3FAC]  }
0x2b: {  	s6 =	sld [smem:$0x3FAD]  }
0x2c: {  	s7 =	sld [smem:$0x3FAE]  }
0x2d: {  	s3 =	simm.s32 $0x108;
	s8 =	sld [smem:$0x3FAF]  }
0x2e: {  	s3 =	simm.s32 @!p0 $0x1082;
	s9 =	sld [smem:$0x3FB0]  }
0x2f: {  	lr =	sadd.s32 s0, s3;
	s0 =	sld [smem:$0x3FA7]  }
0x30: {  	s3 =	sld [smem:$0x3FAA]  }
0x31: {  	[smem:$0x3FB3] =	sst s10  }
0x32: {  	s10 =	sld [smem:$0x3FB1];
	_ =	sdelay $0x3  }
0x33: {  	p0 =	seq.s32 s10, $0x1;
	s10 =	sld [smem:$0x3FB3];
	_ =	sdelay $0x3  }
0x34: {  	[smem:$0x3FB3] =	sst s10  }
0x35: {  	s10 =	sld [smem:$0x3FB2];
	_ =	sdelay $0x3  }
0x36: {  	p1 =	seq.s32 s10, $0x1;
	s10 =	sld [smem:$0x3FB3];
	_ =	sdelay $0x3  }
0x37: {  	[smem:$0x3FB3] =	sst s10  }
0x38: {  	s10 =	sld [smem:$0x3FB4]  }
0x39: {  	_ = 	snop;
	(pc) =	sbr.ind lr, $3  }
0x3a: {  	_ = 	snop  }
0x3b: {  	_ = 	snop  }
0x3c: {  	p2 =	seq.s32 s10, $0x1;
	s10 =	sld [smem:$0x3FB3]  }
0x3d: {  	_ =	shalt  }
0x3e: {  	_ =	shalt  }
0x3f: {  	_ =	shalt  }
0x40: {  	_ =	shalt  }
0x41: {  	_ =	shalt  }
0x42: {  	_ =	shalt  }
0x43: {  	_ =	shalt  }
0x44: {  	_ =	shalt  }
0x45: {  	_ =	shalt  }
0x46: {  	_ =	shalt  }
0x47: {  	_ =	shalt  }
0x48: {  	_ =	shalt  }
0x49: {  	_ =	shalt  }
0x4a: {  	_ =	shalt  }
0x4b: {  	_ =	shalt  }
0x4c: {  	_ =	shalt  }
0x4d: {  	_ =	shalt  }
0x4e: {  	_ =	shalt  }
0x4f: {  	_ =	shalt  }
0x50: {  	_ =	shalt  }
0x51: {  	_ =	shalt  }
0x52: {  	_ =	shalt  }
0x53: {  	_ =	shalt  }
0x54: {  	_ =	shalt  }
0x55: {  	_ =	shalt  }
0x56: {  	_ =	shalt  }
0x57: {  	_ =	shalt  }
0x58: {  	_ =	shalt  }
0x59: {  	_ =	shalt  }
0x5a: {  	_ =	shalt  }
0x5b: {  	_ =	shalt  }
0x5c: {  	_ =	shalt  }
0x5d: {  	_ =	shalt  }
0x5e: {  	_ =	shalt  }
0x5f: {  	_ =	shalt  }
0x60: {  	_ =	shalt  }
0x61: {  	_ =	shalt  }
0x62: {  	_ =	shalt  }
0x63: {  	_ =	shalt  }
0x64: {  	_ =	shalt  }
0x65: {  	_ =	shalt  }
0x66: {  	_ =	shalt  }
0x67: {  	_ =	shalt  }
0x68: {  	_ =	shalt  }
0x69: {  	_ =	shalt  }
0x6a: {  	_ =	shalt  }
0x6b: {  	_ =	shalt  }
0x6c: {  	_ =	shalt  }
0x6d: {  	_ =	shalt  }
0x6e: {  	_ =	shalt  }
0x6f: {  	_ =	shalt  }
0x70: {  	_ =	shalt  }
0x71: {  	_ =	shalt  }
0x72: {  	_ =	shalt  }
0x73: {  	_ =	shalt  }
0x74: {  	_ =	shalt  }
0x75: {  	_ =	shalt  }
0x76: {  	_ =	shalt  }
0x77: {  	_ =	shalt  }
0x78: {  	_ =	shalt  }
0x79: {  	_ =	shalt  }
0x7a: {  	_ =	shalt  }
0x7b: {  	_ =	shalt  }
0x7c: {  	_ =	shalt  }
0x7d: {  	_ =	shalt  }
0x7e: {  	_ =	shalt  }
0x7f: {  	_ =	shalt  }
0x80: {  	_ =	shalt  }
0x81: {  	_ =	shalt  }
0x82: {  	_ =	shalt  }
0x83: {  	_ =	shalt  }
0x84: {  	_ =	shalt  }
0x85: {  	_ =	shalt  }
0x86: {  	_ =	shalt  }
0x87: {  	_ =	shalt  }
.Lfunc_end0:
.L_simem_size_0:
called_computation_lowered:
.L_overlay_start_0:
0x88: {  	s2 =	sld [smem:$0x3FD9]  }
0x89: {  	s3 =	sld [smem:$0x3FFE];
	_ =	sdelay $0x1  }
0x8a: {  	s1 =	srdreg.scid  }
0x8b: {  	s0 =	sand.u32 $0x1, s1  }
0x8c: {  	s16 =	sshll.u32 s0, $0xA;
	s2 =	sadd.s32 s3, s2  }
0x8d: {  	s2 =	sadd.s32 s2, s16  }
0x8e: {  	[smem:$0x3FBF] =	sst s2  }
0x8f: {  	_ = 	snop  }
0x90: {  	(tm) =	ssettm $0x1  }
0x91: {  	s17 =	sld [smem:$0x3FFB];
	_ =	sdelay $0x3  }
0x92: {  	_ =	strace s17  }
0x93: {  	s2 =	sld [smem:$0x3FFC];
	_ =	sdelay $0x3  }
0x94: {  	_ =	strace s2  }
0x95: {  	s2 =	sld [smem:$0x3FFD];
	_ =	sdelay $0x3  }
0x96: {  	_ =	strace s2  }
0x97: {  	_ =	strace $0x8FFFFFFF  }
0x98: {  	s18 =	sld [smem:$0x3FDB];
	_ =	sdelay $0x1  }
0x99: {  	s19 =	simm.s32 $_scs_section_size  }
0x9a: {  	s4 =	simm.s32 $_size__tile_overlayer_lowered;
	s5 =	simm.s32 $_tile_overlayer_lowered  }
0x9b: {  	s22 =	simm.s32 $0x1BFF;
	s21 =	sshll.u32 s5, $0x1;
	s2 =	sadd.s32 s19, s18  }
0x9c: {  	s6 =	simm.s32 $0x0;
	s20 =	sshll.u32 s4, $0x1;
	s4 =	sadd.s32 s21, s2  }
0x9d: {  	[timem:s6], [sflag:s22] =	dma.local [hbm:s4], s20  }
0x9e: {  	_ =	swait.ge [sflag:s22], s20  }
0x9f: {  	s3 =	ssub.s32 $0x0, s20;
	[sflag:s22] =	ssyncset.done $0x0  }
0xa0: {  	[sflag:s22] =	ssyncadd.s32 s3;
	_ =	sdelay $0x1  }
0xa1: {  	s23 =	simm.s32 $0x1B8B  }
0xa2: {  	_ =	swait.ge [sflag:s23], $0x1  }
0xa3: {  	[sflag:s23] =	ssyncset.done $0x0  }
0xa4: {  	s25 =	simm.s32 $0x1B8E;
	s24 =	sld [smem:$0x3FFE];
	[sflag:s23] =	ssyncadd.s32 $0xFFFFFFFF  }
0xa5: {  	s26 =	simm.s32 $execute0_lowered;
	[smem:$0x3FD2] =	sst s25  }
0xa6: {  	s4 =	sshll.u32 s26, $0x1;
	_ =	strace $0x80000046;
	[dreg:$0x1] =	wrdreg $0xFFFFFFFF  }
0xa7: {  	s28 =	simm.s32 $_size_execute0_lowered;
	s2 =	sadd.s32 s2, s4;
	[dreg:$0x0] =	wrdreg $0x0  }
0xa8: {  	s4 =	sshll.u32 s28, $0x1;
	[dreg:$0x2] =	wrdreg s2  }
0xa9: {  	[dreg:$0x3] =	wrdreg s4  }
0xaa: {  	[dreg:$0x4] =	wrdreg $0xC0  }
0xab: {  	_ =	task [dreg:s6], $0x5FFFF  }
0xac: {  	[dreg:$0x1] =	wrdreg $0xFFFFFFFF  }
0xad: {  	[dreg:$0x0] =	wrdreg $0x60  }
0xae: {  	[dreg:$0x2] =	wrdreg s24  }
0xaf: {  	[dreg:$0x3] =	wrdreg $0x68000  }
0xb0: {  	[dreg:$0x4] =	wrdreg $0x9  }
0xb1: {  	_ =	task.clear_ibuf [dreg:s6], $0x5FFFF;
	_ =	strace $0x90000046  }
0xb2: {  	s29 =	simm.s32 $0x9;
	_ =	strace $0x80000048  }
0xb3: {  	_ =	swait.ge [sflag:s29], $0x1  }
0xb4: {  	[sflag:s29] =	ssyncadd.s32 $0xFFFFFFFF  }
0xb5: {  	_ =	strace $0x90000048  }
0xb6: {  	_ =	sfence  }
0xb7: {  	s30 =	sld [smem:$0x0];
	_ =	sdelay $0x2  }
0xb8: {  	s31 =	sshll.u32 s1, $0xD;
	s1 =	sshrl.u32 s1, $0x2  }
0xb9: {  	s3 =	sand.u32 $0x4000, s31;
	s1 =	sadd.s32 s1, s30  }
0xba: {  	s0 =	sor.u32 s3, s0;
	s1 =	sshll.u32 s1, $0x11  }
0xbb: {  	s0 =	sor.u32 s1, s0  }
0xbc: {  	s0 =	sadd.s32 $0x8F2B, s0  }
0xbd: {  	[sflag:s0] =	ssyncadd.remote.s32 $0x1  }
0xbe: {  	_ =	sfence.sel $0xFFFF  }
0xbf: {  	[dreg:$0x0] =	wrdreg $0xFFFFFFFF;
	(pc) =	sbr.abs _section_cstart, $3  }
0xc0: {  	[dreg:$0x1] =	wrdreg $0xFFFFFFFF  }
0xc1: {  	_ =	task.clear_ibuf [dreg:s6], $0x2FFFF;
	_ =	strace $0x9FFFFFFF  }
0xc2: {  	(tm) =	ssettm $0x7FFFFFFF  }
0xc3: {  	_ =	shalt  }
tec
execute0_lowered:
.L_overlay_start_1:
0x0: {  	(tag) =	ssettag $0x1  }
0x1: {  	s1 =	srdreg.scid;
	s6 =	rddreg [dreg:$0x0]  }
0x2: {  	s0 =	stileid.u32;
	s2 =	rddreg [dreg:$0x1]  }
0x3: {  	s3 =	simm.s32 $0x0;
	s15 =	simm.s32 $0x80;
	s16 =	simm.s32 $0x1  }
0x4: {  	s19 =	simm.s32 $0x0;
	s5 =	sand.u32 $0x1, s1;
	s8 =	smul.u32 $0x1F400, s0  }
0x5: {  	s29 =	sshll.u32 s0, $0x1;
	[smem:$0x7FF] =	sst s3;
	s10 =	smul.u32 $0x3E80, s0  }
0x6: {  	s11 =	smul.u32 $0x7D000, s0;
	s14 =	sadd.s32 $0x157C00, s2;
	p0 =	sgt.u32 s0, $0xA  }
0x7: {  	p2 =	sgt.u32 s0, $0x9;
	s1 =	sor.u32 s5, s29;
	s7 =	smul.u32 $0x138800, s5  }
0x8: {  	s5 =	ssub.s32 $0x2, s5;
	p1 =	sne.s32 @p0 s0, $0xB;
	s17 =	sshll.u32 @!p2 s0, $0x6  }
0x9: {  	s4 =	smul.u32 $0x500, s1;
	s1 =	rddreg [dreg:$0x2];
	_ =	strace $0x80000047  }
0xa: {  	s30 =	sshrl.u32 s5, $0x1;
	s10 =	sadd.s32 s10, s6;
	s31 =	sshrl.u32 s11, $0x2  }
0xb: {  	p1 =	por p1, !p0;
	s11 =	simm.s32 $0x2800;
	s17 =	sor.u32 @!p2 $0x1C02, s17  }
0xc: {  	s7 =	sadd.s32 s8, s7;
	s13 =	ssub.s32 s5, s30;
	s18 =	sadd.s32 s31, s2  }
0xd: {  	s9 =	sadd.s32 s4, s6;
	s4 =	sadd.s32 $0x4D000, s6;
	s7 =	sshrl.u32 s7, $0x3  }
0xe: {  	s12 =	sadd.s32 s7, s6;
	s5 =	sadd.s32 $0x17E00, s9;
	s6 =	sadd.s32 $0x4CD80, s6  }
0xf: {  	s7 =	sadd.s32 $0x21E00, s10;
	s9 =	smax.u32 s13, $0x1;
	s10 =	simm.s32 $0x2  }
0x10: {  	s13 =	sshll.u32 @!p0 s0, $0x6;
	s8 =	sadd.s32 $0x4D800, s12;
	s12 =	sshrl.u32 @!p1 s14, $0x3  }
0x11: {  	s13 =	sor.u32 @!p0 $0x1C02, s13;
	s14 =	sshrl.u32 @!p0 s18, $0x3;
	s18 =	sshrl.u32 @!p2 s18, $0x3  }
.LBB2_1:
0x12: {  	[tilespmem:s3], [sflag:$0x2] =	stream.linear.gather [hbm4b:s5+s3], $0x2800, $0x38;
	[tilespmem:$0x1C080] =	vst v63  }
0x13: {  	_ =	swait.ge [sflag:s10], $0x2800  }
0x14: {  	[sflag:s10] =	ssyncset.done $0x0  }
0x15: {  	[sflag:s10] =	ssyncadd.s32 $0xFFFFD800  }
0x16: {  	[tilespmem:s11], [sflag:$0x2] =	stream.linear.gather [hbm4b:s4+s3], $0x4000, $0x38;
	[tilespmem:$0x1C080] =	vst v63  }
0x17: {  	_ =	swait.ge [sflag:s10], $0x4000  }
0x18: {  	[sflag:s10] =	ssyncset.done $0x0  }
0x19: {  	s20 =	simm.s32 @!p1 $0x1EC2;
	[sflag:s10] =	ssyncadd.s32 $0xFFFFC000  }
0x1a: {  	[spmem:s12], [sflag:s20] =	dma.local @!p1 [hbm:s6], $0x180  }
0x1b: {  	s20 =	simm.s32 @!p1 $0x2  }
0x1c: {  	_ =	swait.ge @!p1 [sflag:s20], $0x180  }
0x1d: {  	[sflag:s20] =	ssyncset.done @!p1 $0x0  }
0x1e: {  	[sflag:s20] =	ssyncadd.s32 @!p1 $0xFFFFFE80;
	s20 =	simm.s32 @!p0 $0x2  }
0x1f: {  	[spmem:s14], [sflag:s13] =	dma.local @!p0 [hbm:s7], $0x3E80  }
0x20: {  	_ =	swait.ge @!p0 [sflag:s20], $0x3E80  }
0x21: {  	[sflag:s20] =	ssyncset.done @!p0 $0x0  }
0x22: {  	[sflag:s20] =	ssyncadd.s32 @!p0 $0xFFFFC180  }
0x23: {  	s20 =	simm.s32 $0x0;
	[bflag:$0x0] =	sbarrier.arrive $0xFFFF  }
.LBB2_2:
0x24: {  	p3 =	sne.s32 s20, $0x9E00  }
.Ltmp0:
0x25: {  	_ = 	snop;
	(pc) =	sbr.rel @p3 .LBB2_2-.Ltmp0, $3  }
0x26: {  	_ =	sdelay $0x1  }
0x27: {  	s21 =	sshra.s32 s20, $0x2;
	s20 =	sadd.s32 $0x200, s20  }
0x28: {  	[spmem:s2] =	stream.indirect.scatter.add.f32 [tilespmem:s11], [sflag:$0x1], $0x80, s21, s15, $0xb8;
	[tilespmem:$0x1C080] =	vst v63  }
0x29: {  	_ =	swait.ge [sflag:s16], $0x4000  }
0x2a: {  	s20 =	simm.s32 $0x4F;
	[sflag:s16] =	ssyncset.done $0x0  }
.LBB2_4:
0x2b: {  	p3 =	sne.s32 s20, $0x1;
	s20 =	sadd.s32 $0xFFFFFFFF, s20;
	[sflag:s16] =	ssyncadd.s32 $0xFFFFC000  }
.Ltmp1:
0x2c: {  	(pc) =	sbr.rel @p3 .LBB2_4-.Ltmp1, $3  }
0x2d: {  	_ =	sdelay $0x1  }
0x2e: {  	_ =	swait.ge [sflag:s16], $0x4000  }
0x2f: {  	[sflag:s16] =	ssyncset.done $0x0  }
0x30: {  	s19 =	sadd.s32 $0x1, s19  }
0x31: {  	[sflag:s16] =	ssyncadd.s32 $0xFFFFC000;
	p3 =	sne.s32 s19, s9  }
.Ltmp2:
0x32: {  	s20 =	simm.s32 @!p2 $0x2;
	[bflag:$0x0] =	sbarrier.arrive $0xFFFF;
	(pc) =	sbr.rel @p3 .LBB2_1-.Ltmp2, $4  }
0x33: {  	[hbm:s8], [sflag:s17] =	dma.local @!p2 [spmem:s18], $0x3E80  }
0x34: {  	_ =	swait.ge @!p2 [sflag:s20], $0x3E80  }
0x35: {  	[sflag:s20] =	ssyncset.done @!p2 $0x0  }
0x36: {  	[sflag:s20] =	ssyncadd.s32 @!p2 $0xFFFFC180  }
0x37: {  	_ =	sfence.sel $0x180000  }
0x38: {  	[bflag:$0x0] =	sbarrier.arrive $0xFFFF  }
0x39: {  	p0 =	sne.s32 s0, $0x0;
	_ =	strace $0x90000047  }
0x3a: {  	s0 =	sadd.s32 @!p0 $0x100000, s1;
	[bflag:$0x2] =	sbarrier.arrive $0xFFFF  }
0x3b: {  	[sflag:s0] =	ssyncadd.tile.s32 @!p0 $0x1;
	_ =	shalt  }
.Lfunc_end2:
_tile_overlayer_lowered:
.L_overlay_start_2:
0x3c: {  	(tag) =	ssettag $0x2  }
0x3d: {  	s0 =	rddreg [dreg:$0x0];
	s2 =	stileid.u32  }
0x3e: {  	s1 =	rddreg [dreg:$0x1];
	p0 =	sne.s32 s2, $0x0  }
0x3f: {  	s3 =	rddreg [dreg:$0x2];
	[bflag:$0x3] =	sbarrier.arrive $0xFFFF;
	s2 =	simm.s32 @!p0 $0x1C02  }
0x40: {  	[timem:s3], [sflag:s2] =	dma.local @!p0 [hbm:s0], s1  }
0x41: {  	s0 =	simm.s32 @!p0 $0x2  }
0x42: {  	_ =	swait.ge @!p0 [sflag:s0], s1  }
0x43: {  	s1 =	ssub.s32 @!p0 $0x0, s1;
	[sflag:s0] =	ssyncset.done @!p0 $0x0  }
0x44: {  	[sflag:s0] =	ssyncadd.s32 @!p0 s1  }
0x45: {  	[bflag:$0x3] =	sbarrier.arrive $0xFFFF  }
0x46: {  	_ =	shalt  }

</sc_bundles>
